<compile_context>
chip_gen: v7x
topology: tpu7x:2x2x1
jax: 0.10.2.dev20260603
libtpu: 0.0.44.dev20260713+nightly
codegen_flags: <defaults>
</compile_context>

<pallas_src>
import functools

import jax
import jax.numpy as jnp
from jax import lax
from jax.experimental import pallas as pl
from jax.experimental.pallas import tpu as pltpu
from jax.experimental.pallas import tpu_sc as plsc

B, C, S, D_MODEL = 4, 8, 128, 768
D_FF = 3072
E = 8
CS = C * S
BF = 1024
J = D_FF // BF


def _means_body(x_ref, bl_ref, spa_rW_ref, spa_rb_ref, spe_rW_ref, spe_rb_ref,
                logits_ref):
    inv = jnp.float32(1.0 / CS)
    xm = jnp.sum(x_ref[...].reshape(B, CS, D_MODEL), axis=1) * inv
    bm = jnp.sum(bl_ref[...].reshape(B, CS, D_MODEL), axis=1) * inv
    feats = jnp.concatenate([bm, xm, xm - bm], axis=-1)
    cdims = (((1,), (1,)), ((), ()))
    la = lax.dot_general(feats, spa_rW_ref[...], cdims,
                         preferred_element_type=jnp.float32) + spa_rb_ref[0]
    lb = lax.dot_general(feats, spe_rW_ref[...], cdims,
                         preferred_element_type=jnp.float32) + spe_rb_ref[0]
    pad = jnp.full((B, 16 - E), -1e30, jnp.float32)
    logits_ref[...] = jnp.concatenate(
        [jnp.concatenate([la, pad], axis=1),
         jnp.concatenate([lb, pad], axis=1)], axis=0)


def _sc_router_body(logits_hbm, idx_hbm, gate_hbm, lv, oi_v, og_v):
    info = plsc.get_sparse_core_info()
    nc = info.num_cores
    wid = lax.axis_index("s") * nc + lax.axis_index("c")
    lane = lax.iota(jnp.int32, 16)

    dnums = lax.GatherDimensionNumbers(
        offset_dims=(), collapsed_slice_dims=(0,), start_index_map=(0,))

    def tree_reduce(v, op):
        for off in (8, 4, 2, 1):
            idxv = ((lane + off) & 15).reshape(16, 1)
            rot = lax.gather(v, idxv, dnums, slice_sizes=(1,),
                             mode=lax.GatherScatterMode.PROMISE_IN_BOUNDS)
            v = op(v, rot)
        return v

    @pl.when(wid < 2 * B)
    def _route():
        pltpu.sync_copy(logits_hbm.at[wid], lv)
        lm = lv[...]
        m = tree_reduce(lm, jnp.maximum)
        p = jnp.exp(lm - m)
        gate = jnp.float32(1.0) / tree_reduce(p, jnp.add)
        is_max = lm == m
        idx = tree_reduce(jnp.where(is_max, lane, jnp.int32(16)), jnp.minimum)
        oi_v[...] = idx
        og_v[...] = gate
        pltpu.sync_copy(oi_v, idx_hbm.at[wid])
        pltpu.sync_copy(og_v, gate_hbm.at[wid])


def _ffn_body(idx_ref, gate_ref,
              x_ref, w1s_ref, b1s_ref, w2s_ref,
              w1a_ref, w2a_ref, w1b_ref, w2b_ref,
              b1a_ref, b1b_ref, b2s_ref, b2a_ref, b2b_ref, o_ref):
    b = pl.program_id(0)
    j = pl.program_id(1)
    x = x_ref[0]
    ga = gate_ref[b, 0]
    gb = gate_ref[B + b, 0]
    cdims = (((1,), (1,)), ((), ()))

    def mm(a, w):
        return lax.dot_general(a, w, cdims, preferred_element_type=jnp.float32)

    h_s = jax.nn.gelu(mm(x, w1s_ref[...]) + b1s_ref[0, 0, :])
    h_a = jax.nn.gelu(mm(x, w1a_ref[0]) + b1a_ref[0, 0, :]) * ga
    h_b = jax.nn.gelu(mm(x, w1b_ref[0]) + b1b_ref[0, 0, :]) * gb

    acc = mm(h_s, w2s_ref[...]) + mm(h_a, w2a_ref[0]) + mm(h_b, w2b_ref[0])

    @pl.when(j == 0)
    def _init():
        b2 = (b2s_ref[0, 0, :] + ga * b2a_ref[0, 0, :]
              + gb * b2b_ref[0, 0, :])
        o_ref[0] = acc + b2

    @pl.when(j > 0)
    def _acc():
        o_ref[0] += acc


@jax.jit
def kernel(x, baseline, shared_W1, shared_b1, shared_W2, shared_b2,
           spa_rW, spa_rb, spa_W1, spa_b1, spa_W2, spa_b2,
           spe_rW, spe_rb, spe_W1, spe_b1, spe_W2, spe_b2):
    f32 = jnp.float32
    x3 = x.reshape(B, CS, D_MODEL)
    bl3 = baseline.reshape(B, CS, D_MODEL)

    logits = pl.pallas_call(
        _means_body,
        out_shape=jax.ShapeDtypeStruct((2 * B, 16), f32),
    )(x3, bl3, spa_rW, spa_rb.reshape(1, E), spe_rW, spe_rb.reshape(1, E))

    mesh = plsc.VectorSubcoreMesh(core_axis_name="c", subcore_axis_name="s")
    sc_router = functools.partial(
        pl.kernel, mesh=mesh,
        out_type=(
            jax.ShapeDtypeStruct((2 * B, 16), jnp.int32),
            jax.ShapeDtypeStruct((2 * B, 16), f32),
        ),
        scratch_types=[
            pltpu.VMEM((16,), f32),
            pltpu.VMEM((16,), jnp.int32),
            pltpu.VMEM((16,), f32),
        ],
    )(_sc_router_body)
    idx_g, gate_g = sc_router(logits)

    grid_spec = pltpu.PrefetchScalarGridSpec(
        num_scalar_prefetch=2,
        grid=(B, J),
        in_specs=[
            pl.BlockSpec((1, CS, D_MODEL), lambda b, j, ig, gg: (b, 0, 0)),
            pl.BlockSpec((BF, D_MODEL), lambda b, j, ig, gg: (j, 0)),
            pl.BlockSpec((1, 1, BF), lambda b, j, ig, gg: (0, 0, j)),
            pl.BlockSpec((D_MODEL, BF), lambda b, j, ig, gg: (0, j)),
            pl.BlockSpec((1, BF, D_MODEL),
                         lambda b, j, ig, gg: (ig[b, 0], j, 0)),
            pl.BlockSpec((1, D_MODEL, BF),
                         lambda b, j, ig, gg: (ig[b, 0], 0, j)),
            pl.BlockSpec((1, BF, D_MODEL),
                         lambda b, j, ig, gg: (ig[B + b, 0], j, 0)),
            pl.BlockSpec((1, D_MODEL, BF),
                         lambda b, j, ig, gg: (ig[B + b, 0], 0, j)),
            pl.BlockSpec((1, 1, BF), lambda b, j, ig, gg: (ig[b, 0], 0, j)),
            pl.BlockSpec((1, 1, BF), lambda b, j, ig, gg: (ig[B + b, 0], 0, j)),
            pl.BlockSpec((1, 1, D_MODEL), lambda b, j, ig, gg: (0, 0, 0)),
            pl.BlockSpec((1, 1, D_MODEL),
                         lambda b, j, ig, gg: (ig[b, 0], 0, 0)),
            pl.BlockSpec((1, 1, D_MODEL),
                         lambda b, j, ig, gg: (ig[B + b, 0], 0, 0)),
        ],
        out_specs=pl.BlockSpec((1, CS, D_MODEL),
                               lambda b, j, ig, gg: (b, 0, 0)),
    )

    out = pl.pallas_call(
        _ffn_body,
        grid_spec=grid_spec,
        out_shape=jax.ShapeDtypeStruct((B, CS, D_MODEL), f32),
        compiler_params=pltpu.CompilerParams(
            dimension_semantics=("arbitrary", "arbitrary"),
            vmem_limit_bytes=100 * 1024 * 1024),
    )(idx_g, gate_g,
      x3, shared_W1, shared_b1.reshape(1, 1, D_FF), shared_W2,
      spa_W1, spa_W2, spe_W1, spe_W2,
      spa_b1.reshape(E, 1, D_FF), spe_b1.reshape(E, 1, D_FF),
      shared_b2.reshape(1, 1, D_MODEL),
      spa_b2.reshape(E, 1, D_MODEL), spe_b2.reshape(E, 1, D_MODEL))

    return out.reshape(B, C, S, D_MODEL)

# --- scband reference (transcript-rebuilt; emitter-appended) ---
"""Pipeline reference for scband-typed-dual-bank-shared-mo-effn-27384711479466 (READ-ONLY COPY).

The authoritative reference and input builder live on the scoring server;
editing this copy changes nothing except your own understanding.
"""

import jax, jax.numpy as jnp
import numpy as np

B, C, S, D_MODEL = 4, 8, 128, 768
D_FF = 3072
E = 8


def _w(key, shape, std=0.02):
    return jax.random.normal(key, shape, dtype=jnp.float32) * std


def setup_inputs(seed: int = 0) -> dict:
    key = jax.random.key(seed)
    ks = jax.random.split(key, 12)
    return {
        "x": jax.random.normal(ks[0], (B, C, S, D_MODEL), dtype=jnp.float32),
        "baseline": jax.random.normal(ks[1], (B, C, S, D_MODEL), dtype=jnp.float32),
        "shared_W1": _w(ks[2], (D_FF, D_MODEL)),
        "shared_b1": jnp.zeros((D_FF,), jnp.float32),
        "shared_W2": _w(ks[3], (D_MODEL, D_FF)),
        "shared_b2": jnp.zeros((D_MODEL,), jnp.float32),
        "spa_rW": _w(ks[4], (E, 3 * D_MODEL)),
        "spa_rb": jnp.zeros((E,), jnp.float32),
        "spa_W1": _w(ks[5], (E, D_FF, D_MODEL)),
        "spa_b1": jnp.zeros((E, D_FF), jnp.float32),
        "spa_W2": _w(ks[6], (E, D_MODEL, D_FF)),
        "spa_b2": jnp.zeros((E, D_MODEL), jnp.float32),
        "spe_rW": _w(ks[7], (E, 3 * D_MODEL)),
        "spe_rb": jnp.zeros((E,), jnp.float32),
        "spe_W1": _w(ks[8], (E, D_FF, D_MODEL)),
        "spe_b1": jnp.zeros((E, D_FF), jnp.float32),
        "spe_W2": _w(ks[9], (E, D_MODEL, D_FF)),
        "spe_b2": jnp.zeros((E, D_MODEL), jnp.float32),
    }


def _ffn(x, W1, b1, W2, b2):
    h = jax.nn.gelu(jnp.einsum('bcsd,fd->bcsf', x, W1) + b1)
    return jnp.einsum('bcsf,df->bcsd', h, W2) + b2


def _bank(x, feats, rW, rb, W1, b1, W2, b2):
    # sample-level top-1 routing within the bank
    logits = feats @ rW.T + rb                      # [B, E]
    p = jax.nn.softmax(logits, axis=-1)             # [B, E]
    w, idx = jax.lax.top_k(p, 1)                    # [B, 1]
    idx0 = idx[:, 0]                                # [B]
    gate = w[:, 0]                                  # [B]
    # gather the selected expert parameters per sample (SparseCore-style gather)
    W1s = jnp.take(W1, idx0, axis=0)                # [B, D_FF, D]
    b1s = jnp.take(b1, idx0, axis=0)                # [B, D_FF]
    W2s = jnp.take(W2, idx0, axis=0)                # [B, D, D_FF]
    b2s = jnp.take(b2, idx0, axis=0)                # [B, D]
    h = jax.nn.gelu(jnp.einsum('bcsd,bfd->bcsf', x, W1s) + b1s[:, None, None, :])
    out = jnp.einsum('bcsf,bdf->bcsd', h, W2s) + b2s[:, None, None, :]
    return out * gate[:, None, None, None]


def reference(x, baseline, shared_W1, shared_b1, shared_W2, shared_b2,
              spa_rW, spa_rb, spa_W1, spa_b1, spa_W2, spa_b2,
              spe_rW, spe_rb, spe_W1, spe_b1, spe_W2, spe_b2):
    # sample-level AttnRes routing features: [B, 3*d_model]
    feats = jnp.concatenate([
        baseline.mean(axis=(1, 2)),
        x.mean(axis=(1, 2)),
        (x - baseline).mean(axis=(1, 2)),
    ], axis=-1)
    shared_out = _ffn(x, shared_W1, shared_b1, shared_W2, shared_b2)
    spa_out = _bank(x, feats, spa_rW, spa_rb, spa_W1, spa_b1, spa_W2, spa_b2)
    spe_out = _bank(x, feats, spe_rW, spe_rb, spe_W1, spe_b1, spe_W2, spe_b2)
    return shared_out + spa_out + spe_out

if __name__ == "__main__":
    import jax
    _d = setup_inputs()
    print(jax.jit(kernel)(*tuple(_d.values())))

</pallas_src>

<mosaic_0001>
#map = affine_map<(d0, d1) -> (0, 0)>
module attributes {stable_mosaic.version = 14 : i64} {
  func.func @_sc_router_body(%arg0: i32, %arg1: i32, %arg2: memref<8x16xf32, #tpu.memory_space<hbm>>, %arg3: memref<8x16xi32, #tpu.memory_space<hbm>>, %arg4: memref<8x16xf32, #tpu.memory_space<hbm>>, %arg5: memref<16xf32, #tpu.memory_space<vmem>>, %arg6: memref<16xi32, #tpu.memory_space<vmem>>, %arg7: memref<16xf32, #tpu.memory_space<vmem>>) attributes {dimension_semantics = [#tpu.dimension_semantics<core_parallel>, #tpu.dimension_semantics<subcore_parallel>], iteration_bounds = array<i64: 2, 16>, scalar_prefetch = 0 : i64, scratch_operands = 3 : i64, tpu.core_type = #tpu.core_type<sc_vector_subcore>, window_params = [{transform_indices = #map}, {transform_indices = #map}, {transform_indices = #map}]} {
    %mul3A = arith.constant 2 : i32
    %mul3A_0 = arith.muli %arg1, %mul3A : i32
    %add3A = arith.addi %mul3A_0, %arg0 : i32
    %iota3A = tpu.iota {dimensions = array<i32: 0>} : vector<16xi32>
    %lt3A = arith.constant 8 : i32
    %lt3A_1 = arith.cmpi slt, %add3A, %lt3A : i32
    %convert_element_type3A = arith.extui %lt3A_1 : i1 to i32
    %cond3A = arith.constant 0 : i32
    %cond3A_2 = arith.cmpi ne, %convert_element_type3A, %cond3A : i32
    scf.if %cond3A_2 {
      "tpu.region"() ({
        %run_scoped3A = tpu.sem_alloc : memref<!tpu.dma_semaphore, #tpu.memory_space<semaphore_mem>>
        %dma_start3A = arith.constant 0 : i32
        %dma_start3A_129 = tpu.memref_slice %arg2[%add3A, %dma_start3A] : memref<8x16xf32, #tpu.memory_space<hbm>> -> memref<1x16xf32, #tpu.memory_space<hbm>>
        %dma_start3A_130 = tpu.memref_squeeze %dma_start3A_129 : memref<1x16xf32, #tpu.memory_space<hbm>> -> memref<16xf32, #tpu.memory_space<hbm>>
        %dma_start3A_131 = arith.constant 0 : i32
        %dma_start3A_132 = tpu.memref_slice %arg2[%add3A, %dma_start3A_131] : memref<8x16xf32, #tpu.memory_space<hbm>> -> memref<1x16xf32, #tpu.memory_space<hbm>>
        %dma_start3A_133 = tpu.memref_squeeze %dma_start3A_132 : memref<1x16xf32, #tpu.memory_space<hbm>> -> memref<16xf32, #tpu.memory_space<hbm>>
        tpu.enqueue_dma source(%dma_start3A_133 : memref<16xf32, #tpu.memory_space<hbm>>) target(%arg5 : memref<16xf32, #tpu.memory_space<vmem>>) target_semaphore(%run_scoped3A : memref<!tpu.dma_semaphore, #tpu.memory_space<semaphore_mem>>)
        %dma_wait3A = arith.constant 0 : i32
        %dma_wait3A_134 = tpu.memref_slice %arg2[%add3A, %dma_wait3A] : memref<8x16xf32, #tpu.memory_space<hbm>> -> memref<1x16xf32, #tpu.memory_space<hbm>>
        %dma_wait3A_135 = tpu.memref_squeeze %dma_wait3A_134 : memref<1x16xf32, #tpu.memory_space<hbm>> -> memref<16xf32, #tpu.memory_space<hbm>>
        %dma_wait3A_136 = arith.constant 0 : i32
        %dma_wait3A_137 = tpu.memref_slice %arg2[%add3A, %dma_wait3A_136] : memref<8x16xf32, #tpu.memory_space<hbm>> -> memref<1x16xf32, #tpu.memory_space<hbm>>
        %dma_wait3A_138 = tpu.memref_squeeze %dma_wait3A_137 : memref<1x16xf32, #tpu.memory_space<hbm>> -> memref<16xf32, #tpu.memory_space<hbm>>
        tpu.wait_dma2 semaphore(%run_scoped3A : memref<!tpu.dma_semaphore, #tpu.memory_space<semaphore_mem>>) src(%dma_wait3A_138 : memref<16xf32, #tpu.memory_space<hbm>>) dst(%arg5 : memref<16xf32, #tpu.memory_space<vmem>>)
        tpu.yield
      }) : () -> ()
      %get3A = arith.constant 0 : index
      %get3A_3 = tpu.vector_load %arg5[%get3A] {strides = array<i32>} : memref<16xf32, #tpu.memory_space<vmem>>, vector<16xf32>,
      %get3A_4 = vector.shape_cast %get3A_3 : vector<16xf32> to vector<16xf32>
      %add3A_5 = arith.constant 8 : i32
      %add3A_6 = vector.broadcast %add3A_5 : i32 to vector<16xi32>
      %add3A_7 = arith.addi %iota3A, %add3A_6 : vector<16xi32>
      %and3A = arith.constant 15 : i32
      %and3A_8 = vector.broadcast %and3A : i32 to vector<16xi32>
      %and3A_9 = arith.andi %add3A_7, %and3A_8 : vector<16xi32>
      %reshape3A = vector.shape_cast %and3A_9 : vector<16xi32> to vector<16x1xi32>
      %gather3A = vector.shape_cast %reshape3A : vector<16x1xi32> to vector<16xi32>
      %gather3A_10 = tpu.dynamic_gather %get3A_4[%gather3A] in [0] : vector<16xf32>, vector<16xi32> -> vector<16xf32>
      %max3A = arith.maximumf %get3A_4, %gather3A_10 : vector<16xf32>
      %add3A_11 = arith.constant 4 : i32
      %add3A_12 = vector.broadcast %add3A_11 : i32 to vector<16xi32>
      %add3A_13 = arith.addi %iota3A, %add3A_12 : vector<16xi32>
      %and3A_14 = arith.constant 15 : i32
      %and3A_15 = vector.broadcast %and3A_14 : i32 to vector<16xi32>
      %and3A_16 = arith.andi %add3A_13, %and3A_15 : vector<16xi32>
      %reshape3A_17 = vector.shape_cast %and3A_16 : vector<16xi32> to vector<16x1xi32>
      %gather3A_18 = vector.shape_cast %reshape3A_17 : vector<16x1xi32> to vector<16xi32>
      %gather3A_19 = tpu.dynamic_gather %max3A[%gather3A_18] in [0] : vector<16xf32>, vector<16xi32> -> vector<16xf32>
      %max3A_20 = arith.maximumf %max3A, %gather3A_19 : vector<16xf32>
      %add3A_21 = arith.constant 2 : i32
      %add3A_22 = vector.broadcast %add3A_21 : i32 to vector<16xi32>
      %add3A_23 = arith.addi %iota3A, %add3A_22 : vector<16xi32>
      %and3A_24 = arith.constant 15 : i32
      %and3A_25 = vector.broadcast %and3A_24 : i32 to vector<16xi32>
      %and3A_26 = arith.andi %add3A_23, %and3A_25 : vector<16xi32>
      %reshape3A_27 = vector.shape_cast %and3A_26 : vector<16xi32> to vector<16x1xi32>
      %gather3A_28 = vector.shape_cast %reshape3A_27 : vector<16x1xi32> to vector<16xi32>
      %gather3A_29 = tpu.dynamic_gather %max3A_20[%gather3A_28] in [0] : vector<16xf32>, vector<16xi32> -> vector<16xf32>
      %max3A_30 = arith.maximumf %max3A_20, %gather3A_29 : vector<16xf32>
      %add3A_31 = arith.constant 1 : i32
      %add3A_32 = vector.broadcast %add3A_31 : i32 to vector<16xi32>
      %add3A_33 = arith.addi %iota3A, %add3A_32 : vector<16xi32>
      %and3A_34 = arith.constant 15 : i32
      %and3A_35 = vector.broadcast %and3A_34 : i32 to vector<16xi32>
      %and3A_36 = arith.andi %add3A_33, %and3A_35 : vector<16xi32>
      %reshape3A_37 = vector.shape_cast %and3A_36 : vector<16xi32> to vector<16x1xi32>
      %gather3A_38 = vector.shape_cast %reshape3A_37 : vector<16x1xi32> to vector<16xi32>
      %gather3A_39 = tpu.dynamic_gather %max3A_30[%gather3A_38] in [0] : vector<16xf32>, vector<16xi32> -> vector<16xf32>
      %max3A_40 = arith.maximumf %max3A_30, %gather3A_39 : vector<16xf32>
      %sub3A = arith.subf %get3A_4, %max3A_40 : vector<16xf32>
      %exp3A = math.exp %sub3A : vector<16xf32>
      %add3A_41 = arith.constant 8 : i32
      %add3A_42 = vector.broadcast %add3A_41 : i32 to vector<16xi32>
      %add3A_43 = arith.addi %iota3A, %add3A_42 : vector<16xi32>
      %and3A_44 = arith.constant 15 : i32
      %and3A_45 = vector.broadcast %and3A_44 : i32 to vector<16xi32>
      %and3A_46 = arith.andi %add3A_43, %and3A_45 : vector<16xi32>
      %reshape3A_47 = vector.shape_cast %and3A_46 : vector<16xi32> to vector<16x1xi32>
      %gather3A_48 = vector.shape_cast %reshape3A_47 : vector<16x1xi32> to vector<16xi32>
      %gather3A_49 = tpu.dynamic_gather %exp3A[%gather3A_48] in [0] : vector<16xf32>, vector<16xi32> -> vector<16xf32>
      %add3A_50 = arith.addf %exp3A, %gather3A_49 : vector<16xf32>
      %add3A_51 = arith.constant 4 : i32
      %add3A_52 = vector.broadcast %add3A_51 : i32 to vector<16xi32>
      %add3A_53 = arith.addi %iota3A, %add3A_52 : vector<16xi32>
      %and3A_54 = arith.constant 15 : i32
      %and3A_55 = vector.broadcast %and3A_54 : i32 to vector<16xi32>
      %and3A_56 = arith.andi %add3A_53, %and3A_55 : vector<16xi32>
      %reshape3A_57 = vector.shape_cast %and3A_56 : vector<16xi32> to vector<16x1xi32>
      %gather3A_58 = vector.shape_cast %reshape3A_57 : vector<16x1xi32> to vector<16xi32>
      %gather3A_59 = tpu.dynamic_gather %add3A_50[%gather3A_58] in [0] : vector<16xf32>, vector<16xi32> -> vector<16xf32>
      %add3A_60 = arith.addf %add3A_50, %gather3A_59 : vector<16xf32>
      %add3A_61 = arith.constant 2 : i32
      %add3A_62 = vector.broadcast %add3A_61 : i32 to vector<16xi32>
      %add3A_63 = arith.addi %iota3A, %add3A_62 : vector<16xi32>
      %and3A_64 = arith.constant 15 : i32
      %and3A_65 = vector.broadcast %and3A_64 : i32 to vector<16xi32>
      %and3A_66 = arith.andi %add3A_63, %and3A_65 : vector<16xi32>
      %reshape3A_67 = vector.shape_cast %and3A_66 : vector<16xi32> to vector<16x1xi32>
      %gather3A_68 = vector.shape_cast %reshape3A_67 : vector<16x1xi32> to vector<16xi32>
      %gather3A_69 = tpu.dynamic_gather %add3A_60[%gather3A_68] in [0] : vector<16xf32>, vector<16xi32> -> vector<16xf32>
      %add3A_70 = arith.addf %add3A_60, %gather3A_69 : vector<16xf32>
      %add3A_71 = arith.constant 1 : i32
      %add3A_72 = vector.broadcast %add3A_71 : i32 to vector<16xi32>
      %add3A_73 = arith.addi %iota3A, %add3A_72 : vector<16xi32>
      %and3A_74 = arith.constant 15 : i32
      %and3A_75 = vector.broadcast %and3A_74 : i32 to vector<16xi32>
      %and3A_76 = arith.andi %add3A_73, %and3A_75 : vector<16xi32>
      %reshape3A_77 = vector.shape_cast %and3A_76 : vector<16xi32> to vector<16x1xi32>
      %gather3A_78 = vector.shape_cast %reshape3A_77 : vector<16x1xi32> to vector<16xi32>
      %gather3A_79 = tpu.dynamic_gather %add3A_70[%gather3A_78] in [0] : vector<16xf32>, vector<16xi32> -> vector<16xf32>
      %add3A_80 = arith.addf %add3A_70, %gather3A_79 : vector<16xf32>
      %div3A = arith.constant 1.000000e+00 : f32
      %div3A_81 = vector.broadcast %div3A : f32 to vector<16xf32>
      %div3A_82 = arith.divf %div3A_81, %add3A_80 : vector<16xf32>
      %eq3A = arith.cmpf oeq, %get3A_4, %max3A_40 : vector<16xf32>
      %jit3A = arith.constant 16 : i32
      %broadcast_in_dim3A = vector.broadcast %jit3A : i32 to vector<16xi32>
      %select_n3A = arith.select %eq3A, %iota3A, %broadcast_in_dim3A : vector<16xi1>, vector<16xi32>
      %add3A_83 = arith.constant 8 : i32
      %add3A_84 = vector.broadcast %add3A_83 : i32 to vector<16xi32>
      %add3A_85 = arith.addi %iota3A, %add3A_84 : vector<16xi32>
      %and3A_86 = arith.constant 15 : i32
      %and3A_87 = vector.broadcast %and3A_86 : i32 to vector<16xi32>
      %and3A_88 = arith.andi %add3A_85, %and3A_87 : vector<16xi32>
      %reshape3A_89 = vector.shape_cast %and3A_88 : vector<16xi32> to vector<16x1xi32>
      %gather3A_90 = vector.shape_cast %reshape3A_89 : vector<16x1xi32> to vector<16xi32>
      %gather3A_91 = tpu.dynamic_gather %select_n3A[%gather3A_90] in [0] : vector<16xi32>, vector<16xi32> -> vector<16xi32>
      %min3A = arith.minsi %select_n3A, %gather3A_91 : vector<16xi32>
      %add3A_92 = arith.constant 4 : i32
      %add3A_93 = vector.broadcast %add3A_92 : i32 to vector<16xi32>
      %add3A_94 = arith.addi %iota3A, %add3A_93 : vector<16xi32>
      %and3A_95 = arith.constant 15 : i32
      %and3A_96 = vector.broadcast %and3A_95 : i32 to vector<16xi32>
      %and3A_97 = arith.andi %add3A_94, %and3A_96 : vector<16xi32>
      %reshape3A_98 = vector.shape_cast %and3A_97 : vector<16xi32> to vector<16x1xi32>
      %gather3A_99 = vector.shape_cast %reshape3A_98 : vector<16x1xi32> to vector<16xi32>
      %gather3A_100 = tpu.dynamic_gather %min3A[%gather3A_99] in [0] : vector<16xi32>, vector<16xi32> -> vector<16xi32>
      %min3A_101 = arith.minsi %min3A, %gather3A_100 : vector<16xi32>
      %add3A_102 = arith.constant 2 : i32
      %add3A_103 = vector.broadcast %add3A_102 : i32 to vector<16xi32>
      %add3A_104 = arith.addi %iota3A, %add3A_103 : vector<16xi32>
      %and3A_105 = arith.constant 15 : i32
      %and3A_106 = vector.broadcast %and3A_105 : i32 to vector<16xi32>
      %and3A_107 = arith.andi %add3A_104, %and3A_106 : vector<16xi32>
      %reshape3A_108 = vector.shape_cast %and3A_107 : vector<16xi32> to vector<16x1xi32>
      %gather3A_109 = vector.shape_cast %reshape3A_108 : vector<16x1xi32> to vector<16xi32>
      %gather3A_110 = tpu.dynamic_gather %min3A_101[%gather3A_109] in [0] : vector<16xi32>, vector<16xi32> -> vector<16xi32>
      %min3A_111 = arith.minsi %min3A_101, %gather3A_110 : vector<16xi32>
      %add3A_112 = arith.constant 1 : i32
      %add3A_113 = vector.broadcast %add3A_112 : i32 to vector<16xi32>
      %add3A_114 = arith.addi %iota3A, %add3A_113 : vector<16xi32>
      %and3A_115 = arith.constant 15 : i32
      %and3A_116 = vector.broadcast %and3A_115 : i32 to vector<16xi32>
      %and3A_117 = arith.andi %add3A_114, %and3A_116 : vector<16xi32>
      %reshape3A_118 = vector.shape_cast %and3A_117 : vector<16xi32> to vector<16x1xi32>
      %gather3A_119 = vector.shape_cast %reshape3A_118 : vector<16x1xi32> to vector<16xi32>
      %gather3A_120 = tpu.dynamic_gather %min3A_111[%gather3A_119] in [0] : vector<16xi32>, vector<16xi32> -> vector<16xi32>
      %min3A_121 = arith.minsi %min3A_111, %gather3A_120 : vector<16xi32>
      %swap3A = arith.constant 0 : index
      %swap3A_122 = tpu.vector_load %arg6[%swap3A] {strides = array<i32>} : memref<16xi32, #tpu.memory_space<vmem>>, vector<16xi32>,
      %swap3A_123 = vector.shape_cast %swap3A_122 : vector<16xi32> to vector<16xi32>
      %swap3A_124 = vector.shape_cast %min3A_121 : vector<16xi32> to vector<16xi32>
      tpu.vector_store %arg6[%swap3A], %swap3A_124 {strides = array<i32>} : memref<16xi32, #tpu.memory_space<vmem>>, vector<16xi32>,
      %swap3A_125 = arith.constant 0 : index
      %swap3A_126 = tpu.vector_load %arg7[%swap3A_125] {strides = array<i32>} : memref<16xf32, #tpu.memory_space<vmem>>, vector<16xf32>,
      %swap3A_127 = vector.shape_cast %swap3A_126 : vector<16xf32> to vector<16xf32>
      %swap3A_128 = vector.shape_cast %div3A_82 : vector<16xf32> to vector<16xf32>
      tpu.vector_store %arg7[%swap3A_125], %swap3A_128 {strides = array<i32>} : memref<16xf32, #tpu.memory_space<vmem>>, vector<16xf32>,
      "tpu.region"() ({
        %run_scoped3A = tpu.sem_alloc : memref<!tpu.dma_semaphore, #tpu.memory_space<semaphore_mem>>
        %dma_start3A = arith.constant 0 : i32
        %dma_start3A_129 = tpu.memref_slice %arg3[%add3A, %dma_start3A] : memref<8x16xi32, #tpu.memory_space<hbm>> -> memref<1x16xi32, #tpu.memory_space<hbm>>
        %dma_start3A_130 = tpu.memref_squeeze %dma_start3A_129 : memref<1x16xi32, #tpu.memory_space<hbm>> -> memref<16xi32, #tpu.memory_space<hbm>>
        %dma_start3A_131 = arith.constant 0 : i32
        %dma_start3A_132 = tpu.memref_slice %arg3[%add3A, %dma_start3A_131] : memref<8x16xi32, #tpu.memory_space<hbm>> -> memref<1x16xi32, #tpu.memory_space<hbm>>
        %dma_start3A_133 = tpu.memref_squeeze %dma_start3A_132 : memref<1x16xi32, #tpu.memory_space<hbm>> -> memref<16xi32, #tpu.memory_space<hbm>>
        tpu.enqueue_dma source(%arg6 : memref<16xi32, #tpu.memory_space<vmem>>) target(%dma_start3A_133 : memref<16xi32, #tpu.memory_space<hbm>>) target_semaphore(%run_scoped3A : memref<!tpu.dma_semaphore, #tpu.memory_space<semaphore_mem>>)
        %dma_wait3A = arith.constant 0 : i32
        %dma_wait3A_134 = tpu.memref_slice %arg3[%add3A, %dma_wait3A] : memref<8x16xi32, #tpu.memory_space<hbm>> -> memref<1x16xi32, #tpu.memory_space<hbm>>
        %dma_wait3A_135 = tpu.memref_squeeze %dma_wait3A_134 : memref<1x16xi32, #tpu.memory_space<hbm>> -> memref<16xi32, #tpu.memory_space<hbm>>
        %dma_wait3A_136 = arith.constant 0 : i32
        %dma_wait3A_137 = tpu.memref_slice %arg3[%add3A, %dma_wait3A_136] : memref<8x16xi32, #tpu.memory_space<hbm>> -> memref<1x16xi32, #tpu.memory_space<hbm>>
        %dma_wait3A_138 = tpu.memref_squeeze %dma_wait3A_137 : memref<1x16xi32, #tpu.memory_space<hbm>> -> memref<16xi32, #tpu.memory_space<hbm>>
        tpu.wait_dma2 semaphore(%run_scoped3A : memref<!tpu.dma_semaphore, #tpu.memory_space<semaphore_mem>>) src(%arg6 : memref<16xi32, #tpu.memory_space<vmem>>) dst(%dma_wait3A_138 : memref<16xi32, #tpu.memory_space<hbm>>)
        tpu.yield
      }) : () -> ()
      "tpu.region"() ({
        %run_scoped3A = tpu.sem_alloc : memref<!tpu.dma_semaphore, #tpu.memory_space<semaphore_mem>>
        %dma_start3A = arith.constant 0 : i32
        %dma_start3A_129 = tpu.memref_slice %arg4[%add3A, %dma_start3A] : memref<8x16xf32, #tpu.memory_space<hbm>> -> memref<1x16xf32, #tpu.memory_space<hbm>>
        %dma_start3A_130 = tpu.memref_squeeze %dma_start3A_129 : memref<1x16xf32, #tpu.memory_space<hbm>> -> memref<16xf32, #tpu.memory_space<hbm>>
        %dma_start3A_131 = arith.constant 0 : i32
        %dma_start3A_132 = tpu.memref_slice %arg4[%add3A, %dma_start3A_131] : memref<8x16xf32, #tpu.memory_space<hbm>> -> memref<1x16xf32, #tpu.memory_space<hbm>>
        %dma_start3A_133 = tpu.memref_squeeze %dma_start3A_132 : memref<1x16xf32, #tpu.memory_space<hbm>> -> memref<16xf32, #tpu.memory_space<hbm>>
        tpu.enqueue_dma source(%arg7 : memref<16xf32, #tpu.memory_space<vmem>>) target(%dma_start3A_133 : memref<16xf32, #tpu.memory_space<hbm>>) target_semaphore(%run_scoped3A : memref<!tpu.dma_semaphore, #tpu.memory_space<semaphore_mem>>)
        %dma_wait3A = arith.constant 0 : i32
        %dma_wait3A_134 = tpu.memref_slice %arg4[%add3A, %dma_wait3A] : memref<8x16xf32, #tpu.memory_space<hbm>> -> memref<1x16xf32, #tpu.memory_space<hbm>>
        %dma_wait3A_135 = tpu.memref_squeeze %dma_wait3A_134 : memref<1x16xf32, #tpu.memory_space<hbm>> -> memref<16xf32, #tpu.memory_space<hbm>>
        %dma_wait3A_136 = arith.constant 0 : i32
        %dma_wait3A_137 = tpu.memref_slice %arg4[%add3A, %dma_wait3A_136] : memref<8x16xf32, #tpu.memory_space<hbm>> -> memref<1x16xf32, #tpu.memory_space<hbm>>
        %dma_wait3A_138 = tpu.memref_squeeze %dma_wait3A_137 : memref<1x16xf32, #tpu.memory_space<hbm>> -> memref<16xf32, #tpu.memory_space<hbm>>
        tpu.wait_dma2 semaphore(%run_scoped3A : memref<!tpu.dma_semaphore, #tpu.memory_space<semaphore_mem>>) src(%arg7 : memref<16xf32, #tpu.memory_space<vmem>>) dst(%dma_wait3A_138 : memref<16xf32, #tpu.memory_space<hbm>>)
        tpu.yield
      }) : () -> ()
    } else {
    }
    return
  }
}

module attributes {stable_mosaic.version = 14 : i64} {
  func.func @_means_body(%arg0: memref<4x1024x768xf32, #tpu.memory_space<vmem>>, %arg1: memref<4x1024x768xf32, #tpu.memory_space<vmem>>, %arg2: memref<8x2304xf32, #tpu.memory_space<vmem>>, %arg3: memref<1x8xf32, #tpu.memory_space<vmem>>, %arg4: memref<8x2304xf32, #tpu.memory_space<vmem>>, %arg5: memref<1x8xf32, #tpu.memory_space<vmem>>, %arg6: memref<8x16xf32, #tpu.memory_space<vmem>>) attributes {dimension_semantics = [], scalar_prefetch = 0 : i64, scratch_operands = 0 : i64, tpu.core_type = #tpu.core_type<tc>} {
    %get3A = arith.constant 0 : index
    %get3A_0 = arith.constant 0 : index
    %get3A_1 = arith.constant 0 : index
    %get3A_2 = vector.load %arg0[%get3A, %get3A_0, %get3A_1] : memref<4x1024x768xf32, #tpu.memory_space<vmem>>, vector<4x1024x768xf32>
    %reduce_sum3A = arith.constant dense<0.000000e+00> : vector<4x768xf32>
    %reduce_sum3A_3 = vector.multi_reduction <add>, %get3A_2, %reduce_sum3A [1] : vector<4x1024x768xf32> to vector<4x768xf32>
    %mul3A = arith.constant 9.765625E-4 : f32
    %mul3A_4 = vector.broadcast %mul3A : f32 to vector<4x768xf32>
    %mul3A_5 = arith.mulf %reduce_sum3A_3, %mul3A_4 : vector<4x768xf32>
    %get3A_6 = arith.constant 0 : index
    %get3A_7 = arith.constant 0 : index
    %get3A_8 = arith.constant 0 : index
    %get3A_9 = vector.load %arg1[%get3A_6, %get3A_7, %get3A_8] : memref<4x1024x768xf32, #tpu.memory_space<vmem>>, vector<4x1024x768xf32>
    %reduce_sum3A_10 = arith.constant dense<0.000000e+00> : vector<4x768xf32>
    %reduce_sum3A_11 = vector.multi_reduction <add>, %get3A_9, %reduce_sum3A_10 [1] : vector<4x1024x768xf32> to vector<4x768xf32>
    %mul3A_12 = arith.constant 9.765625E-4 : f32
    %mul3A_13 = vector.broadcast %mul3A_12 : f32 to vector<4x768xf32>
    %mul3A_14 = arith.mulf %reduce_sum3A_11, %mul3A_13 : vector<4x768xf32>
    %sub3A = arith.subf %mul3A_5, %mul3A_14 : vector<4x768xf32>
    %concatenate3A = tpu.concatenate %mul3A_14, %mul3A_5, %sub3A in 1 : vector<4x768xf32>, vector<4x768xf32>, vector<4x768xf32> -> vector<4x2304xf32>
    %get3A_15 = arith.constant 0 : index
    %get3A_16 = arith.constant 0 : index
    %get3A_17 = vector.load %arg2[%get3A_15, %get3A_16] : memref<8x2304xf32, #tpu.memory_space<vmem>>, vector<8x2304xf32>
    %dot_general3A = arith.constant dense<0.000000e+00> : vector<4x8xf32>
    %dot_general3A_18 = tpu.matmul %concatenate3A, %get3A_17, %dot_general3A {dimension_numbers = #tpu.dot_dimension_numbers<[1], [1], [0], [0], [0, 0, 1, 0], [], []>, transpose_lhs_hint = false} : vector<4x2304xf32>, vector<8x2304xf32>, vector<4x8xf32> -> vector<4x8xf32>
    %get3A_19 = arith.constant 0 : index
    %get3A_20 = arith.constant 0 : index
    %get3A_21 = vector.load %arg3[%get3A_19, %get3A_20] : memref<1x8xf32, #tpu.memory_space<vmem>>, vector<1x8xf32>
    %get3A_22 = vector.shape_cast %get3A_21 : vector<1x8xf32> to vector<8xf32>
    %broadcast_in_dim3A = vector.shape_cast %get3A_22 : vector<8xf32> to vector<1x8xf32>
    %add3A = vector.broadcast %broadcast_in_dim3A : vector<1x8xf32> to vector<4x8xf32>
    %add3A_23 = arith.addf %dot_general3A_18, %add3A : vector<4x8xf32>
    %get3A_24 = arith.constant 0 : index
    %get3A_25 = arith.constant 0 : index
    %get3A_26 = vector.load %arg4[%get3A_24, %get3A_25] : memref<8x2304xf32, #tpu.memory_space<vmem>>, vector<8x2304xf32>
    %dot_general3A_27 = arith.constant dense<0.000000e+00> : vector<4x8xf32>
    %dot_general3A_28 = tpu.matmul %concatenate3A, %get3A_26, %dot_general3A_27 {dimension_numbers = #tpu.dot_dimension_numbers<[1], [1], [0], [0], [0, 0, 1, 0], [], []>, transpose_lhs_hint = false} : vector<4x2304xf32>, vector<8x2304xf32>, vector<4x8xf32> -> vector<4x8xf32>
    %get3A_29 = arith.constant 0 : index
    %get3A_30 = arith.constant 0 : index
    %get3A_31 = vector.load %arg5[%get3A_29, %get3A_30] : memref<1x8xf32, #tpu.memory_space<vmem>>, vector<1x8xf32>
    %get3A_32 = vector.shape_cast %get3A_31 : vector<1x8xf32> to vector<8xf32>
    %broadcast_in_dim3A_33 = vector.shape_cast %get3A_32 : vector<8xf32> to vector<1x8xf32>
    %add3A_34 = vector.broadcast %broadcast_in_dim3A_33 : vector<1x8xf32> to vector<4x8xf32>
    %add3A_35 = arith.addf %dot_general3A_28, %add3A_34 : vector<4x8xf32>
    %broadcast_in_dim3A_36 = arith.constant -1.000000e+30 : f32
    %broadcast_in_dim3A_37 = vector.broadcast %broadcast_in_dim3A_36 : f32 to vector<4x8xf32>
    %concatenate3A_38 = tpu.concatenate %add3A_23, %broadcast_in_dim3A_37 in 1 : vector<4x8xf32>, vector<4x8xf32> -> vector<4x16xf32>
    %concatenate3A_39 = tpu.concatenate %add3A_35, %broadcast_in_dim3A_37 in 1 : vector<4x8xf32>, vector<4x8xf32> -> vector<4x16xf32>
    %concatenate3A_40 = tpu.concatenate %concatenate3A_38, %concatenate3A_39 in 0 : vector<4x16xf32>, vector<4x16xf32> -> vector<8x16xf32>
    %swap3A = arith.constant 0 : index
    %swap3A_41 = arith.constant 0 : index
    %swap3A_42 = vector.load %arg6[%swap3A, %swap3A_41] : memref<8x16xf32, #tpu.memory_space<vmem>>, vector<8x16xf32>
    tpu.vector_store %arg6[%swap3A, %swap3A_41], %concatenate3A_40 {strides = array<i32>} : memref<8x16xf32, #tpu.memory_space<vmem>>, vector<8x16xf32>,
    return
  }
}

module attributes {stable_mosaic.version = 14 : i64} {
  func.func @_ffn_body(%arg0: i32, %arg1: i32, %arg2: memref<8x16xi32, #tpu.memory_space<smem>>, %arg3: memref<8x16xf32, #tpu.memory_space<smem>>, %arg4: memref<1x1024x768xf32, #tpu.memory_space<vmem>>, %arg5: memref<1024x768xf32, #tpu.memory_space<vmem>>, %arg6: memref<1x1x1024xf32, #tpu.memory_space<vmem>>, %arg7: memref<768x1024xf32, #tpu.memory_space<vmem>>, %arg8: memref<1x1024x768xf32, #tpu.memory_space<vmem>>, %arg9: memref<1x768x1024xf32, #tpu.memory_space<vmem>>, %arg10: memref<1x1024x768xf32, #tpu.memory_space<vmem>>, %arg11: memref<1x768x1024xf32, #tpu.memory_space<vmem>>, %arg12: memref<1x1x1024xf32, #tpu.memory_space<vmem>>, %arg13: memref<1x1x1024xf32, #tpu.memory_space<vmem>>, %arg14: memref<1x1x768xf32, #tpu.memory_space<vmem>>, %arg15: memref<1x1x768xf32, #tpu.memory_space<vmem>>, %arg16: memref<1x1x768xf32, #tpu.memory_space<vmem>>, %arg17: memref<1x1024x768xf32, #tpu.memory_space<vmem>>) attributes {dimension_semantics = [#tpu.dimension_semantics<arbitrary>, #tpu.dimension_semantics<arbitrary>], iteration_bounds = array<i64: 4, 3>, scalar_prefetch = 2 : i64, scratch_operands = 0 : i64, tpu.core_type = #tpu.core_type<tc>, window_params = [{transform_indices = @transform_0, window_bounds = array<i64: 1, 1024, 768>}, {transform_indices = @transform_1, window_bounds = array<i64: 1024, 768>}, {transform_indices = @transform_2, window_bounds = array<i64: 1, 1, 1024>}, {transform_indices = @transform_3, window_bounds = array<i64: 768, 1024>}, {transform_indices = @transform_4, window_bounds = array<i64: 1, 1024, 768>}, {transform_indices = @transform_5, window_bounds = array<i64: 1, 768, 1024>}, {transform_indices = @transform_6, window_bounds = array<i64: 1, 1024, 768>}, {transform_indices = @transform_7, window_bounds = array<i64: 1, 768, 1024>}, {transform_indices = @transform_8, window_bounds = array<i64: 1, 1, 1024>}, {transform_indices = @transform_9, window_bounds = array<i64: 1, 1, 1024>}, {pipeline_mode = #tpu.pipeline_mode<synchronous>, transform_indices = @transform_10, window_bounds = array<i64: 1, 1, 768>}, {transform_indices = @transform_11, window_bounds = array<i64: 1, 1, 768>}, {transform_indices = @transform_12, window_bounds = array<i64: 1, 1, 768>}, {transform_indices = @transform_13, window_bounds = array<i64: 1, 1024, 768>}]} {
    %get3A = arith.constant 0 : index
    %get3A_0 = arith.constant 0 : index
    %get3A_1 = arith.constant 0 : index
    %get3A_2 = vector.load %arg4[%get3A, %get3A_0, %get3A_1] : memref<1x1024x768xf32, #tpu.memory_space<vmem>>, vector<1x1024x768xf32>
    %get3A_3 = vector.shape_cast %get3A_2 : vector<1x1024x768xf32> to vector<1024x768xf32>
    %get3A_4 = arith.index_cast %arg0 : i32 to index
    %get3A_5 = arith.constant 0 : index
    %get3A_6 = memref.load %arg3[%get3A_4, %get3A_5] : memref<8x16xf32, #tpu.memory_space<smem>>
    %add3A = arith.constant 4 : i32
    %add3A_7 = arith.addi %add3A, %arg0 : i32
    %get3A_8 = arith.index_cast %add3A_7 : i32 to index
    %get3A_9 = arith.constant 0 : index
    %get3A_10 = memref.load %arg3[%get3A_8, %get3A_9] : memref<8x16xf32, #tpu.memory_space<smem>>
    %get3A_11 = arith.constant 0 : index
    %get3A_12 = arith.constant 0 : index
    %get3A_13 = vector.load %arg5[%get3A_11, %get3A_12] : memref<1024x768xf32, #tpu.memory_space<vmem>>, vector<1024x768xf32>
    %dot_general3A = arith.constant dense<0.000000e+00> : vector<1024x1024xf32>
    %dot_general3A_14 = tpu.matmul %get3A_3, %get3A_13, %dot_general3A {dimension_numbers = #tpu.dot_dimension_numbers<[1], [1], [0], [0], [0, 0, 1, 0], [], []>, transpose_lhs_hint = false} : vector<1024x768xf32>, vector<1024x768xf32>, vector<1024x1024xf32> -> vector<1024x1024xf32>
    %get3A_15 = arith.constant 0 : index
    %get3A_16 = arith.constant 0 : index
    %get3A_17 = arith.constant 0 : index
    %get3A_18 = vector.load %arg6[%get3A_15, %get3A_16, %get3A_17] : memref<1x1x1024xf32, #tpu.memory_space<vmem>>, vector<1x1x1024xf32>
    %get3A_19 = vector.shape_cast %get3A_18 : vector<1x1x1024xf32> to vector<1024xf32>
    %broadcast_in_dim3A = vector.shape_cast %get3A_19 : vector<1024xf32> to vector<1x1024xf32>
    %add3A_20 = vector.broadcast %broadcast_in_dim3A : vector<1x1024xf32> to vector<1024x1024xf32>
    %add3A_21 = arith.addf %dot_general3A_14, %add3A_20 : vector<1024x1024xf32>
    %integer_pow3A = arith.mulf %add3A_21, %add3A_21 : vector<1024x1024xf32>
    %integer_pow3A_22 = arith.mulf %add3A_21, %integer_pow3A : vector<1024x1024xf32>
    %mul3A = arith.constant 4.471500e-02 : f32
    %mul3A_23 = vector.broadcast %mul3A : f32 to vector<1024x1024xf32>
    %mul3A_24 = arith.mulf %mul3A_23, %integer_pow3A_22 : vector<1024x1024xf32>
    %add3A_25 = arith.addf %add3A_21, %mul3A_24 : vector<1024x1024xf32>
    %mul3A_26 = arith.constant 0.797884583 : f32
    %mul3A_27 = vector.broadcast %mul3A_26 : f32 to vector<1024x1024xf32>
    %mul3A_28 = arith.mulf %mul3A_27, %add3A_25 : vector<1024x1024xf32>
    %tanh3A = math.tanh %mul3A_28 : vector<1024x1024xf32>
    %add3A_29 = arith.constant 1.000000e+00 : f32
    %add3A_30 = vector.broadcast %add3A_29 : f32 to vector<1024x1024xf32>
    %add3A_31 = arith.addf %add3A_30, %tanh3A : vector<1024x1024xf32>
    %mul3A_32 = arith.constant 5.000000e-01 : f32
    %mul3A_33 = vector.broadcast %mul3A_32 : f32 to vector<1024x1024xf32>
    %mul3A_34 = arith.mulf %mul3A_33, %add3A_31 : vector<1024x1024xf32>
    %mul3A_35 = arith.mulf %add3A_21, %mul3A_34 : vector<1024x1024xf32>
    %get3A_36 = arith.constant 0 : index
    %get3A_37 = arith.constant 0 : index
    %get3A_38 = arith.constant 0 : index
    %get3A_39 = vector.load %arg8[%get3A_36, %get3A_37, %get3A_38] : memref<1x1024x768xf32, #tpu.memory_space<vmem>>, vector<1x1024x768xf32>
    %get3A_40 = vector.shape_cast %get3A_39 : vector<1x1024x768xf32> to vector<1024x768xf32>
    %dot_general3A_41 = arith.constant dense<0.000000e+00> : vector<1024x1024xf32>
    %dot_general3A_42 = tpu.matmul %get3A_3, %get3A_40, %dot_general3A_41 {dimension_numbers = #tpu.dot_dimension_numbers<[1], [1], [0], [0], [0, 0, 1, 0], [], []>, transpose_lhs_hint = false} : vector<1024x768xf32>, vector<1024x768xf32>, vector<1024x1024xf32> -> vector<1024x1024xf32>
    %get3A_43 = arith.constant 0 : index
    %get3A_44 = arith.constant 0 : index
    %get3A_45 = arith.constant 0 : index
    %get3A_46 = vector.load %arg12[%get3A_43, %get3A_44, %get3A_45] : memref<1x1x1024xf32, #tpu.memory_space<vmem>>, vector<1x1x1024xf32>
    %get3A_47 = vector.shape_cast %get3A_46 : vector<1x1x1024xf32> to vector<1024xf32>
    %broadcast_in_dim3A_48 = vector.shape_cast %get3A_47 : vector<1024xf32> to vector<1x1024xf32>
    %add3A_49 = vector.broadcast %broadcast_in_dim3A_48 : vector<1x1024xf32> to vector<1024x1024xf32>
    %add3A_50 = arith.addf %dot_general3A_42, %add3A_49 : vector<1024x1024xf32>
    %integer_pow3A_51 = arith.mulf %add3A_50, %add3A_50 : vector<1024x1024xf32>
    %integer_pow3A_52 = arith.mulf %add3A_50, %integer_pow3A_51 : vector<1024x1024xf32>
    %mul3A_53 = arith.constant 4.471500e-02 : f32
    %mul3A_54 = vector.broadcast %mul3A_53 : f32 to vector<1024x1024xf32>
    %mul3A_55 = arith.mulf %mul3A_54, %integer_pow3A_52 : vector<1024x1024xf32>
    %add3A_56 = arith.addf %add3A_50, %mul3A_55 : vector<1024x1024xf32>
    %mul3A_57 = arith.constant 0.797884583 : f32
    %mul3A_58 = vector.broadcast %mul3A_57 : f32 to vector<1024x1024xf32>
    %mul3A_59 = arith.mulf %mul3A_58, %add3A_56 : vector<1024x1024xf32>
    %tanh3A_60 = math.tanh %mul3A_59 : vector<1024x1024xf32>
    %add3A_61 = arith.constant 1.000000e+00 : f32
    %add3A_62 = vector.broadcast %add3A_61 : f32 to vector<1024x1024xf32>
    %add3A_63 = arith.addf %add3A_62, %tanh3A_60 : vector<1024x1024xf32>
    %mul3A_64 = arith.constant 5.000000e-01 : f32
    %mul3A_65 = vector.broadcast %mul3A_64 : f32 to vector<1024x1024xf32>
    %mul3A_66 = arith.mulf %mul3A_65, %add3A_63 : vector<1024x1024xf32>
    %mul3A_67 = arith.mulf %add3A_50, %mul3A_66 : vector<1024x1024xf32>
    %mul3A_68 = vector.broadcast %get3A_6 : f32 to vector<1024x1024xf32>
    %mul3A_69 = arith.mulf %mul3A_67, %mul3A_68 : vector<1024x1024xf32>
    %get3A_70 = arith.constant 0 : index
    %get3A_71 = arith.constant 0 : index
    %get3A_72 = arith.constant 0 : index
    %get3A_73 = vector.load %arg10[%get3A_70, %get3A_71, %get3A_72] : memref<1x1024x768xf32, #tpu.memory_space<vmem>>, vector<1x1024x768xf32>
    %get3A_74 = vector.shape_cast %get3A_73 : vector<1x1024x768xf32> to vector<1024x768xf32>
    %dot_general3A_75 = arith.constant dense<0.000000e+00> : vector<1024x1024xf32>
    %dot_general3A_76 = tpu.matmul %get3A_3, %get3A_74, %dot_general3A_75 {dimension_numbers = #tpu.dot_dimension_numbers<[1], [1], [0], [0], [0, 0, 1, 0], [], []>, transpose_lhs_hint = false} : vector<1024x768xf32>, vector<1024x768xf32>, vector<1024x1024xf32> -> vector<1024x1024xf32>
    %get3A_77 = arith.constant 0 : index
    %get3A_78 = arith.constant 0 : index
    %get3A_79 = arith.constant 0 : index
    %get3A_80 = vector.load %arg13[%get3A_77, %get3A_78, %get3A_79] : memref<1x1x1024xf32, #tpu.memory_space<vmem>>, vector<1x1x1024xf32>
    %get3A_81 = vector.shape_cast %get3A_80 : vector<1x1x1024xf32> to vector<1024xf32>
    %broadcast_in_dim3A_82 = vector.shape_cast %get3A_81 : vector<1024xf32> to vector<1x1024xf32>
    %add3A_83 = vector.broadcast %broadcast_in_dim3A_82 : vector<1x1024xf32> to vector<1024x1024xf32>
    %add3A_84 = arith.addf %dot_general3A_76, %add3A_83 : vector<1024x1024xf32>
    %integer_pow3A_85 = arith.mulf %add3A_84, %add3A_84 : vector<1024x1024xf32>
    %integer_pow3A_86 = arith.mulf %add3A_84, %integer_pow3A_85 : vector<1024x1024xf32>
    %mul3A_87 = arith.constant 4.471500e-02 : f32
    %mul3A_88 = vector.broadcast %mul3A_87 : f32 to vector<1024x1024xf32>
    %mul3A_89 = arith.mulf %mul3A_88, %integer_pow3A_86 : vector<1024x1024xf32>
    %add3A_90 = arith.addf %add3A_84, %mul3A_89 : vector<1024x1024xf32>
    %mul3A_91 = arith.constant 0.797884583 : f32
    %mul3A_92 = vector.broadcast %mul3A_91 : f32 to vector<1024x1024xf32>
    %mul3A_93 = arith.mulf %mul3A_92, %add3A_90 : vector<1024x1024xf32>
    %tanh3A_94 = math.tanh %mul3A_93 : vector<1024x1024xf32>
    %add3A_95 = arith.constant 1.000000e+00 : f32
    %add3A_96 = vector.broadcast %add3A_95 : f32 to vector<1024x1024xf32>
    %add3A_97 = arith.addf %add3A_96, %tanh3A_94 : vector<1024x1024xf32>
    %mul3A_98 = arith.constant 5.000000e-01 : f32
    %mul3A_99 = vector.broadcast %mul3A_98 : f32 to vector<1024x1024xf32>
    %mul3A_100 = arith.mulf %mul3A_99, %add3A_97 : vector<1024x1024xf32>
    %mul3A_101 = arith.mulf %add3A_84, %mul3A_100 : vector<1024x1024xf32>
    %mul3A_102 = vector.broadcast %get3A_10 : f32 to vector<1024x1024xf32>
    %mul3A_103 = arith.mulf %mul3A_101, %mul3A_102 : vector<1024x1024xf32>
    %get3A_104 = arith.constant 0 : index
    %get3A_105 = arith.constant 0 : index
    %get3A_106 = vector.load %arg7[%get3A_104, %get3A_105] : memref<768x1024xf32, #tpu.memory_space<vmem>>, vector<768x1024xf32>
    %dot_general3A_107 = arith.constant dense<0.000000e+00> : vector<1024x768xf32>
    %dot_general3A_108 = tpu.matmul %mul3A_35, %get3A_106, %dot_general3A_107 {dimension_numbers = #tpu.dot_dimension_numbers<[1], [1], [0], [0], [0, 0, 1, 0], [], []>, transpose_lhs_hint = false} : vector<1024x1024xf32>, vector<768x1024xf32>, vector<1024x768xf32> -> vector<1024x768xf32>
    %get3A_109 = arith.constant 0 : index
    %get3A_110 = arith.constant 0 : index
    %get3A_111 = arith.constant 0 : index
    %get3A_112 = vector.load %arg9[%get3A_109, %get3A_110, %get3A_111] : memref<1x768x1024xf32, #tpu.memory_space<vmem>>, vector<1x768x1024xf32>
    %get3A_113 = vector.shape_cast %get3A_112 : vector<1x768x1024xf32> to vector<768x1024xf32>
    %dot_general3A_114 = arith.constant dense<0.000000e+00> : vector<1024x768xf32>
    %dot_general3A_115 = tpu.matmul %mul3A_69, %get3A_113, %dot_general3A_114 {dimension_numbers = #tpu.dot_dimension_numbers<[1], [1], [0], [0], [0, 0, 1, 0], [], []>, transpose_lhs_hint = false} : vector<1024x1024xf32>, vector<768x1024xf32>, vector<1024x768xf32> -> vector<1024x768xf32>
    %add3A_116 = arith.addf %dot_general3A_108, %dot_general3A_115 : vector<1024x768xf32>
    %get3A_117 = arith.constant 0 : index
    %get3A_118 = arith.constant 0 : index
    %get3A_119 = arith.constant 0 : index
    %get3A_120 = vector.load %arg11[%get3A_117, %get3A_118, %get3A_119] : memref<1x768x1024xf32, #tpu.memory_space<vmem>>, vector<1x768x1024xf32>
    %get3A_121 = vector.shape_cast %get3A_120 : vector<1x768x1024xf32> to vector<768x1024xf32>
    %dot_general3A_122 = arith.constant dense<0.000000e+00> : vector<1024x768xf32>
    %dot_general3A_123 = tpu.matmul %mul3A_103, %get3A_121, %dot_general3A_122 {dimension_numbers = #tpu.dot_dimension_numbers<[1], [1], [0], [0], [0, 0, 1, 0], [], []>, transpose_lhs_hint = false} : vector<1024x1024xf32>, vector<768x1024xf32>, vector<1024x768xf32> -> vector<1024x768xf32>
    %add3A_124 = arith.addf %add3A_116, %dot_general3A_123 : vector<1024x768xf32>
    %eq3A = arith.constant 0 : i32
    %eq3A_125 = arith.cmpi eq, %arg1, %eq3A : i32
    %convert_element_type3A = arith.extui %eq3A_125 : i1 to i32
    %cond3A = arith.constant 0 : i32
    %cond3A_126 = arith.cmpi ne, %convert_element_type3A, %cond3A : i32
    scf.if %cond3A_126 {
      %get3A_131 = arith.constant 0 : index
      %get3A_132 = arith.constant 0 : index
      %get3A_133 = arith.constant 0 : index
      %get3A_134 = vector.load %arg14[%get3A_131, %get3A_132, %get3A_133] : memref<1x1x768xf32, #tpu.memory_space<vmem>>, vector<1x1x768xf32>
      %get3A_135 = vector.shape_cast %get3A_134 : vector<1x1x768xf32> to vector<768xf32>
      %get3A_136 = arith.constant 0 : index
      %get3A_137 = arith.constant 0 : index
      %get3A_138 = arith.constant 0 : index
      %get3A_139 = vector.load %arg15[%get3A_136, %get3A_137, %get3A_138] : memref<1x1x768xf32, #tpu.memory_space<vmem>>, vector<1x1x768xf32>
      %get3A_140 = vector.shape_cast %get3A_139 : vector<1x1x768xf32> to vector<768xf32>
      %mul3A_141 = vector.broadcast %get3A_6 : f32 to vector<768xf32>
      %mul3A_142 = arith.mulf %mul3A_141, %get3A_140 : vector<768xf32>
      %add3A_143 = arith.addf %get3A_135, %mul3A_142 : vector<768xf32>
      %get3A_144 = arith.constant 0 : index
      %get3A_145 = arith.constant 0 : index
      %get3A_146 = arith.constant 0 : index
      %get3A_147 = vector.load %arg16[%get3A_144, %get3A_145, %get3A_146] : memref<1x1x768xf32, #tpu.memory_space<vmem>>, vector<1x1x768xf32>
      %get3A_148 = vector.shape_cast %get3A_147 : vector<1x1x768xf32> to vector<768xf32>
      %mul3A_149 = vector.broadcast %get3A_10 : f32 to vector<768xf32>
      %mul3A_150 = arith.mulf %mul3A_149, %get3A_148 : vector<768xf32>
      %add3A_151 = arith.addf %add3A_143, %mul3A_150 : vector<768xf32>
      %broadcast_in_dim3A_152 = vector.shape_cast %add3A_151 : vector<768xf32> to vector<1x768xf32>
      %add3A_153 = vector.broadcast %broadcast_in_dim3A_152 : vector<1x768xf32> to vector<1024x768xf32>
      %add3A_154 = arith.addf %add3A_124, %add3A_153 : vector<1024x768xf32>
      %swap3A = arith.constant 0 : index
      %swap3A_155 = arith.constant 0 : index
      %swap3A_156 = arith.constant 0 : index
      %swap3A_157 = vector.load %arg17[%swap3A, %swap3A_155, %swap3A_156] : memref<1x1024x768xf32, #tpu.memory_space<vmem>>, vector<1x1024x768xf32>
      %swap3A_158 = vector.shape_cast %swap3A_157 : vector<1x1024x768xf32> to vector<1024x768xf32>
      %swap3A_159 = vector.shape_cast %add3A_154 : vector<1024x768xf32> to vector<1x1024x768xf32>
      tpu.vector_store %arg17[%swap3A, %swap3A_155, %swap3A_156], %swap3A_159 {strides = array<i32>} : memref<1x1024x768xf32, #tpu.memory_space<vmem>>, vector<1x1024x768xf32>,
    } else {
    }
    %gt3A = arith.constant 0 : i32
    %gt3A_127 = arith.cmpi sgt, %arg1, %gt3A : i32
    %convert_element_type3A_128 = arith.extui %gt3A_127 : i1 to i32
    %cond3A_129 = arith.constant 0 : i32
    %cond3A_130 = arith.cmpi ne, %convert_element_type3A_128, %cond3A_129 : i32
    scf.if %cond3A_130 {
      %get3A_131 = arith.constant 0 : index
      %get3A_132 = arith.constant 0 : index
      %get3A_133 = arith.constant 0 : index
      %get3A_134 = vector.load %arg17[%get3A_131, %get3A_132, %get3A_133] : memref<1x1024x768xf32, #tpu.memory_space<vmem>>, vector<1x1024x768xf32>
      %get3A_135 = vector.shape_cast %get3A_134 : vector<1x1024x768xf32> to vector<1024x768xf32>
      %add3A_136 = arith.addf %get3A_135, %add3A_124 : vector<1024x768xf32>
      %swap3A = arith.constant 0 : index
      %swap3A_137 = arith.constant 0 : index
      %swap3A_138 = arith.constant 0 : index
      %swap3A_139 = vector.load %arg17[%swap3A, %swap3A_137, %swap3A_138] : memref<1x1024x768xf32, #tpu.memory_space<vmem>>, vector<1x1024x768xf32>
      %swap3A_140 = vector.shape_cast %swap3A_139 : vector<1x1024x768xf32> to vector<1024x768xf32>
      %swap3A_141 = vector.shape_cast %add3A_136 : vector<1024x768xf32> to vector<1x1024x768xf32>
      tpu.vector_store %arg17[%swap3A, %swap3A_137, %swap3A_138], %swap3A_141 {strides = array<i32>} : memref<1x1024x768xf32, #tpu.memory_space<vmem>>, vector<1x1024x768xf32>,
    } else {
    }
    return
  }
  func.func @transform_0(%arg0: i32, %arg1: i32, %arg2: memref<8x16xi32, #tpu.memory_space<smem>>, %arg3: memref<8x16xf32, #tpu.memory_space<smem>>) -> (i32, i32, i32) {
    %c0_i32 = arith.constant 0 : i32
    %c0_i32_0 = arith.constant 0 : i32
    %c0_i32_1 = arith.constant 0 : i32
    return %arg0, %c0_i32, %c0_i32_0 : i32, i32, i32
  }
  func.func @transform_1(%arg0: i32, %arg1: i32, %arg2: memref<8x16xi32, #tpu.memory_space<smem>>, %arg3: memref<8x16xf32, #tpu.memory_space<smem>>) -> (i32, i32) {
    %c0_i32 = arith.constant 0 : i32
    %c0_i32_0 = arith.constant 0 : i32
    return %arg1, %c0_i32 : i32, i32
  }
  func.func @transform_2(%arg0: i32, %arg1: i32, %arg2: memref<8x16xi32, #tpu.memory_space<smem>>, %arg3: memref<8x16xf32, #tpu.memory_space<smem>>) -> (i32, i32, i32) {
    %c0_i32 = arith.constant 0 : i32
    %c0_i32_0 = arith.constant 0 : i32
    %c0_i32_1 = arith.constant 0 : i32
    return %c0_i32, %c0_i32_0, %arg1 : i32, i32, i32
  }
  func.func @transform_3(%arg0: i32, %arg1: i32, %arg2: memref<8x16xi32, #tpu.memory_space<smem>>, %arg3: memref<8x16xf32, #tpu.memory_space<smem>>) -> (i32, i32) {
    %c0_i32 = arith.constant 0 : i32
    %c0_i32_0 = arith.constant 0 : i32
    return %c0_i32, %arg1 : i32, i32
  }
  func.func @transform_4(%arg0: i32, %arg1: i32, %arg2: memref<8x16xi32, #tpu.memory_space<smem>>, %arg3: memref<8x16xf32, #tpu.memory_space<smem>>) -> (i32, i32, i32) {
    %get3A = arith.index_cast %arg0 : i32 to index
    %get3A_0 = arith.constant 0 : index
    %get3A_1 = memref.load %arg2[%get3A, %get3A_0] : memref<8x16xi32, #tpu.memory_space<smem>>
    %c0_i32 = arith.constant 0 : i32
    %c0_i32_2 = arith.constant 0 : i32
    return %get3A_1, %arg1, %c0_i32 : i32, i32, i32
  }
  func.func @transform_5(%arg0: i32, %arg1: i32, %arg2: memref<8x16xi32, #tpu.memory_space<smem>>, %arg3: memref<8x16xf32, #tpu.memory_space<smem>>) -> (i32, i32, i32) {
    %get3A = arith.index_cast %arg0 : i32 to index
    %get3A_0 = arith.constant 0 : index
    %get3A_1 = memref.load %arg2[%get3A, %get3A_0] : memref<8x16xi32, #tpu.memory_space<smem>>
    %c0_i32 = arith.constant 0 : i32
    %c0_i32_2 = arith.constant 0 : i32
    return %get3A_1, %c0_i32, %arg1 : i32, i32, i32
  }
  func.func @transform_6(%arg0: i32, %arg1: i32, %arg2: memref<8x16xi32, #tpu.memory_space<smem>>, %arg3: memref<8x16xf32, #tpu.memory_space<smem>>) -> (i32, i32, i32) {
    %add3A = arith.constant 4 : i32
    %add3A_0 = arith.addi %add3A, %arg0 : i32
    %get3A = arith.index_cast %add3A_0 : i32 to index
    %get3A_1 = arith.constant 0 : index
    %get3A_2 = memref.load %arg2[%get3A, %get3A_1] : memref<8x16xi32, #tpu.memory_space<smem>>
    %c0_i32 = arith.constant 0 : i32
    %c0_i32_3 = arith.constant 0 : i32
    return %get3A_2, %arg1, %c0_i32 : i32, i32, i32
  }
  func.func @transform_7(%arg0: i32, %arg1: i32, %arg2: memref<8x16xi32, #tpu.memory_space<smem>>, %arg3: memref<8x16xf32, #tpu.memory_space<smem>>) -> (i32, i32, i32) {
    %add3A = arith.constant 4 : i32
    %add3A_0 = arith.addi %add3A, %arg0 : i32
    %get3A = arith.index_cast %add3A_0 : i32 to index
    %get3A_1 = arith.constant 0 : index
    %get3A_2 = memref.load %arg2[%get3A, %get3A_1] : memref<8x16xi32, #tpu.memory_space<smem>>
    %c0_i32 = arith.constant 0 : i32
    %c0_i32_3 = arith.constant 0 : i32
    return %get3A_2, %c0_i32, %arg1 : i32, i32, i32
  }
  func.func @transform_8(%arg0: i32, %arg1: i32, %arg2: memref<8x16xi32, #tpu.memory_space<smem>>, %arg3: memref<8x16xf32, #tpu.memory_space<smem>>) -> (i32, i32, i32) {
    %get3A = arith.index_cast %arg0 : i32 to index
    %get3A_0 = arith.constant 0 : index
    %get3A_1 = memref.load %arg2[%get3A, %get3A_0] : memref<8x16xi32, #tpu.memory_space<smem>>
    %c0_i32 = arith.constant 0 : i32
    %c0_i32_2 = arith.constant 0 : i32
    return %get3A_1, %c0_i32, %arg1 : i32, i32, i32
  }
  func.func @transform_9(%arg0: i32, %arg1: i32, %arg2: memref<8x16xi32, #tpu.memory_space<smem>>, %arg3: memref<8x16xf32, #tpu.memory_space<smem>>) -> (i32, i32, i32) {
    %add3A = arith.constant 4 : i32
    %add3A_0 = arith.addi %add3A, %arg0 : i32
    %get3A = arith.index_cast %add3A_0 : i32 to index
    %get3A_1 = arith.constant 0 : index
    %get3A_2 = memref.load %arg2[%get3A, %get3A_1] : memref<8x16xi32, #tpu.memory_space<smem>>
    %c0_i32 = arith.constant 0 : i32
    %c0_i32_3 = arith.constant 0 : i32
    return %get3A_2, %c0_i32, %arg1 : i32, i32, i32
  }
  func.func @transform_10(%arg0: i32, %arg1: i32, %arg2: memref<8x16xi32, #tpu.memory_space<smem>>, %arg3: memref<8x16xf32, #tpu.memory_space<smem>>) -> (i32, i32, i32) {
    %c0_i32 = arith.constant 0 : i32
    %c0_i32_0 = arith.constant 0 : i32
    %c0_i32_1 = arith.constant 0 : i32
    %c0_i32_2 = arith.constant 0 : i32
    return %c0_i32, %c0_i32_0, %c0_i32_1 : i32, i32, i32
  }
  func.func @transform_11(%arg0: i32, %arg1: i32, %arg2: memref<8x16xi32, #tpu.memory_space<smem>>, %arg3: memref<8x16xf32, #tpu.memory_space<smem>>) -> (i32, i32, i32) {
    %get3A = arith.index_cast %arg0 : i32 to index
    %get3A_0 = arith.constant 0 : index
    %get3A_1 = memref.load %arg2[%get3A, %get3A_0] : memref<8x16xi32, #tpu.memory_space<smem>>
    %c0_i32 = arith.constant 0 : i32
    %c0_i32_2 = arith.constant 0 : i32
    %c0_i32_3 = arith.constant 0 : i32
    return %get3A_1, %c0_i32, %c0_i32_2 : i32, i32, i32
  }
  func.func @transform_12(%arg0: i32, %arg1: i32, %arg2: memref<8x16xi32, #tpu.memory_space<smem>>, %arg3: memref<8x16xf32, #tpu.memory_space<smem>>) -> (i32, i32, i32) {
    %add3A = arith.constant 4 : i32
    %add3A_0 = arith.addi %add3A, %arg0 : i32
    %get3A = arith.index_cast %add3A_0 : i32 to index
    %get3A_1 = arith.constant 0 : index
    %get3A_2 = memref.load %arg2[%get3A, %get3A_1] : memref<8x16xi32, #tpu.memory_space<smem>>
    %c0_i32 = arith.constant 0 : i32
    %c0_i32_3 = arith.constant 0 : i32
    %c0_i32_4 = arith.constant 0 : i32
    return %get3A_2, %c0_i32, %c0_i32_3 : i32, i32, i32
  }
  func.func @transform_13(%arg0: i32, %arg1: i32, %arg2: memref<8x16xi32, #tpu.memory_space<smem>>, %arg3: memref<8x16xf32, #tpu.memory_space<smem>>) -> (i32, i32, i32) {
    %c0_i32 = arith.constant 0 : i32
    %c0_i32_0 = arith.constant 0 : i32
    %c0_i32_1 = arith.constant 0 : i32
    return %arg0, %c0_i32, %c0_i32_0 : i32, i32, i32
  }
}

</mosaic_0001>

<sc_bundles>
// kernel: kernel.5.cloned.1.call-start
scs
__scs_entry_jumppad:
0x0: {  	(pc) =	sbr.rel $0x88, $3  }
0x1: {  	(tag) =	ssettag $0x0;
	lr =	simm.s32 $0x1  }
0x2: {  	[smem:$0x3F8F] =	sst lr;
	_ =	strace $0xD0000000  }
0x3: {  	_ = 	snop  }
0x4: {  	_ = 	snop  }
0x5: {  	_ = 	snop  }
0x6: {  	_ = 	snop  }
0x7: {  	_ = 	snop  }
__scs_overlays_trampoline_lowered:
0x8: {  	[smem:$0x3F9E] =	sst s0  }
0x9: {  	[smem:$0x3F9F] =	sst s1  }
0xa: {  	[smem:$0x3FA0] =	sst s2  }
0xb: {  	[smem:$0x3FA1] =	sst s3  }
0xc: {  	[smem:$0x3FA2] =	sst s4  }
0xd: {  	[smem:$0x3FA3] =	sst s5  }
0xe: {  	[smem:$0x3FA4] =	sst s6  }
0xf: {  	[smem:$0x3FA5] =	sst s7  }
0x10: {  	[smem:$0x3FA6] =	sst s8  }
0x11: {  	[smem:$0x3FA7] =	sst s9;
	s0 =	simm.s32 @!p0 $0x0  }
0x12: {  	s1 =	sld [smem:$0x3F8D];
	s0 =	simm.s32 @p0 $0x1  }
0x13: {  	[smem:$0x3FA8] =	sst s0;
	s0 =	simm.s32 @!p1 $0x0  }
0x14: {  	s2 =	sld [smem:$0x3F8C];
	s0 =	simm.s32 @p1 $0x1  }
0x15: {  	[smem:$0x3FA9] =	sst s0;
	s0 =	simm.s32 @!p2 $0x0  }
0x16: {  	s3 =	sld [smem:$0x3FDB];
	s0 =	simm.s32 @p2 $0x1  }
0x17: {  	s4 =	simm.s32 $0x1BF5;
	[smem:$0x3FAB] =	sst s0  }
0x18: {  	s0 =	sld [smem:$0x3F8E];
	_ =	swait.ge [sflag:s4], $0x0  }
0x19: {  	s7 =	sld [smem:$0x3F8F]  }
0x1a: {  	s8 =	sadd.s32 $0xFFFFE003, lr  }
0x1b: {  	s9 =	sadd.s32 $0xFFFFFEF7, lr;
	s5 =	simm.s32 $0xFFFFFFFF;
	p2 =	slt.u32 s8, $0xFFFFF086  }
0x1c: {  	p1 =	slt.u32 s9, $0xF7A;
	s5 =	simm.s32 @!p2 $0x0  }
0x1d: {  	s5 =	simm.s32 @p1 $0x1;
	p0 =	seq.s32 s7, s2  }
0x1e: {  	s7 =	smul.u32 @!p0 $0xF7A, s2;
	p2 =	seq.s32 @!p0 s5, $0x0  }
0x1f: {  	s9 =	smul.u32 $0xF7A, s1;
	s8 =	simm.s32 @!p0 $0x1BF5;
	p2 =	por !p2, p0  }
0x20: {  	[sflag:s8] =	ssyncset.s32 @!p0 $0xFFFFF086;
	s6 =	sadd.s32 @!p0 s3, s7;
	s7 =	simm.s32 @!p0 $0x108  }
0x21: {  	s3 =	sadd.s32 s3, s9;
	s6 =	sadd.s32 @!p0 $0x88, s6;
	s7 =	simm.s32 @p2 $0x1082  }
0x22: {  	[simem:s7], [sflag:s8] =	dma.local @!p0 [hbm:s6], $0xF7A  }
0x23: {  	s9 =	sor.u32 $0xD0000000, s2;
	s6 =	simm.s32 $0x108;
	_ =	swait.ge @!p0 [sflag:s8], $0x0  }
0x24: {  	s3 =	sadd.s32 $0x88, s3;
	s6 =	simm.s32 @!p1 $0x1082;
	[sflag:s4] =	ssyncset.s32 $0xFFFFF086  }
0x25: {  	[simem:s6], [sflag:s4] =	dma.local [hbm:s3], $0xF7A  }
0x26: {  	[smem:$0x3F8F] =	sst s1;
	(tag) =	ssettag s2;
	_ =	strace s9  }
0x27: {  	s1 =	sld [smem:$0x3F9F]  }
0x28: {  	s2 =	sld [smem:$0x3FA0]  }
0x29: {  	s4 =	sld [smem:$0x3FA2]  }
0x2a: {  	p0 =	seq.s32 s5, $0x0;
	s5 =	sld [smem:$0x3FA3]  }
0x2b: {  	s6 =	sld [smem:$0x3FA4]  }
0x2c: {  	s7 =	sld [smem:$0x3FA5]  }
0x2d: {  	s3 =	simm.s32 $0x108;
	s8 =	sld [smem:$0x3FA6]  }
0x2e: {  	s3 =	simm.s32 @!p0 $0x1082;
	s9 =	sld [smem:$0x3FA7]  }
0x2f: {  	lr =	sadd.s32 s0, s3;
	s0 =	sld [smem:$0x3F9E]  }
0x30: {  	s3 =	sld [smem:$0x3FA1]  }
0x31: {  	[smem:$0x3FAA] =	sst s10  }
0x32: {  	s10 =	sld [smem:$0x3FA8];
	_ =	sdelay $0x3  }
0x33: {  	p0 =	seq.s32 s10, $0x1;
	s10 =	sld [smem:$0x3FAA];
	_ =	sdelay $0x3  }
0x34: {  	[smem:$0x3FAA] =	sst s10  }
0x35: {  	s10 =	sld [smem:$0x3FA9];
	_ =	sdelay $0x3  }
0x36: {  	p1 =	seq.s32 s10, $0x1;
	s10 =	sld [smem:$0x3FAA];
	_ =	sdelay $0x3  }
0x37: {  	[smem:$0x3FAA] =	sst s10  }
0x38: {  	s10 =	sld [smem:$0x3FAB]  }
0x39: {  	_ = 	snop;
	(pc) =	sbr.ind lr, $3  }
0x3a: {  	_ = 	snop  }
0x3b: {  	_ = 	snop  }
0x3c: {  	p2 =	seq.s32 s10, $0x1;
	s10 =	sld [smem:$0x3FAA]  }
0x3d: {  	_ =	shalt  }
0x3e: {  	_ =	shalt  }
0x3f: {  	_ =	shalt  }
0x40: {  	_ =	shalt  }
0x41: {  	_ =	shalt  }
0x42: {  	_ =	shalt  }
0x43: {  	_ =	shalt  }
0x44: {  	_ =	shalt  }
0x45: {  	_ =	shalt  }
0x46: {  	_ =	shalt  }
0x47: {  	_ =	shalt  }
0x48: {  	_ =	shalt  }
0x49: {  	_ =	shalt  }
0x4a: {  	_ =	shalt  }
0x4b: {  	_ =	shalt  }
0x4c: {  	_ =	shalt  }
0x4d: {  	_ =	shalt  }
0x4e: {  	_ =	shalt  }
0x4f: {  	_ =	shalt  }
0x50: {  	_ =	shalt  }
0x51: {  	_ =	shalt  }
0x52: {  	_ =	shalt  }
0x53: {  	_ =	shalt  }
0x54: {  	_ =	shalt  }
0x55: {  	_ =	shalt  }
0x56: {  	_ =	shalt  }
0x57: {  	_ =	shalt  }
0x58: {  	_ =	shalt  }
0x59: {  	_ =	shalt  }
0x5a: {  	_ =	shalt  }
0x5b: {  	_ =	shalt  }
0x5c: {  	_ =	shalt  }
0x5d: {  	_ =	shalt  }
0x5e: {  	_ =	shalt  }
0x5f: {  	_ =	shalt  }
0x60: {  	_ =	shalt  }
0x61: {  	_ =	shalt  }
0x62: {  	_ =	shalt  }
0x63: {  	_ =	shalt  }
0x64: {  	_ =	shalt  }
0x65: {  	_ =	shalt  }
0x66: {  	_ =	shalt  }
0x67: {  	_ =	shalt  }
0x68: {  	_ =	shalt  }
0x69: {  	_ =	shalt  }
0x6a: {  	_ =	shalt  }
0x6b: {  	_ =	shalt  }
0x6c: {  	_ =	shalt  }
0x6d: {  	_ =	shalt  }
0x6e: {  	_ =	shalt  }
0x6f: {  	_ =	shalt  }
0x70: {  	_ =	shalt  }
0x71: {  	_ =	shalt  }
0x72: {  	_ =	shalt  }
0x73: {  	_ =	shalt  }
0x74: {  	_ =	shalt  }
0x75: {  	_ =	shalt  }
0x76: {  	_ =	shalt  }
0x77: {  	_ =	shalt  }
0x78: {  	_ =	shalt  }
0x79: {  	_ =	shalt  }
0x7a: {  	_ =	shalt  }
0x7b: {  	_ =	shalt  }
0x7c: {  	_ =	shalt  }
0x7d: {  	_ =	shalt  }
0x7e: {  	_ =	shalt  }
0x7f: {  	_ =	shalt  }
0x80: {  	_ =	shalt  }
0x81: {  	_ =	shalt  }
0x82: {  	_ =	shalt  }
0x83: {  	_ =	shalt  }
0x84: {  	_ =	shalt  }
0x85: {  	_ =	shalt  }
0x86: {  	_ =	shalt  }
0x87: {  	_ =	shalt  }
.Lfunc_end0:
.L_simem_size_0:
called_computation_lowered:
.L_overlay_start_0:
0x88: {  	s2 =	sld [smem:$0x3FD9]  }
0x89: {  	s3 =	sld [smem:$0x3FFE];
	_ =	sdelay $0x1  }
0x8a: {  	s1 =	srdreg.scid  }
0x8b: {  	s0 =	sand.u32 $0x1, s1  }
0x8c: {  	s17 =	sshll.u32 s0, $0xA;
	s2 =	sadd.s32 s3, s2  }
0x8d: {  	s2 =	sadd.s32 s2, s17  }
0x8e: {  	[smem:$0x3FB6] =	sst s2  }
0x8f: {  	_ = 	snop  }
0x90: {  	s2 =	sld [smem:$0x3FD0];
	(tm) =	ssettm $0x1  }
0x91: {  	s18 =	sld [smem:$0x3FFB];
	_ =	sdelay $0x3  }
0x92: {  	_ =	strace s18  }
0x93: {  	s3 =	sld [smem:$0x3FFC];
	_ =	sdelay $0x3  }
0x94: {  	_ =	strace s3  }
0x95: {  	s3 =	sld [smem:$0x3FFD];
	_ =	sdelay $0x3  }
0x96: {  	_ =	strace s3  }
0x97: {  	_ =	strace $0x8FFFFFFF  }
0x98: {  	s19 =	sld [smem:$0x3FDB];
	_ =	sdelay $0x1  }
0x99: {  	s4 =	simm.s32 $_scs_section_size  }
0x9a: {  	s5 =	simm.s32 $_size__tile_overlayer_lowered;
	s6 =	simm.s32 $_tile_overlayer_lowered  }
0x9b: {  	s22 =	simm.s32 $0x1BFF;
	s21 =	sshll.u32 s6, $0x1;
	s3 =	sadd.s32 s4, s19  }
0x9c: {  	s7 =	simm.s32 $0x0;
	s20 =	sshll.u32 s5, $0x1;
	s5 =	sadd.s32 s21, s3  }
0x9d: {  	[timem:s7], [sflag:s22] =	dma.local [hbm:s5], s20  }
0x9e: {  	_ =	swait.ge [sflag:s22], s20  }
0x9f: {  	s4 =	ssub.s32 $0x0, s20;
	[sflag:s22] =	ssyncset.done $0x0  }
0xa0: {  	[sflag:s22] =	ssyncadd.s32 s4;
	_ =	sdelay $0x1  }
0xa1: {  	s23 =	simm.s32 $0x1B8B  }
0xa2: {  	_ =	swait.ge [sflag:s23], $0x1  }
0xa3: {  	[sflag:s23] =	ssyncset.done $0x0  }
0xa4: {  	s25 =	simm.s32 $0x1B8E;
	s24 =	sld [smem:$0x3FFE];
	[sflag:s23] =	ssyncadd.s32 $0xFFFFFFFF  }
0xa5: {  	s26 =	simm.s32 $execute0_lowered;
	[smem:$0x3FD2] =	sst s25  }
0xa6: {  	s5 =	sshll.u32 s26, $0x1;
	_ =	strace $0x80000046;
	[dreg:$0x1] =	wrdreg $0xFFFFFFFF  }
0xa7: {  	s28 =	simm.s32 $_size_execute0_lowered;
	s3 =	sadd.s32 s3, s5;
	[dreg:$0x0] =	wrdreg $0x0  }
0xa8: {  	s5 =	sshll.u32 s28, $0x1;
	[dreg:$0x2] =	wrdreg s3  }
0xa9: {  	[dreg:$0x3] =	wrdreg s5  }
0xaa: {  	[dreg:$0x4] =	wrdreg $0xC0  }
0xab: {  	_ =	task [dreg:s7], $0x5FFFF  }
0xac: {  	[dreg:$0x1] =	wrdreg $0xFFFFFFFF  }
0xad: {  	[dreg:$0x0] =	wrdreg $0x60  }
0xae: {  	[dreg:$0x2] =	wrdreg s2  }
0xaf: {  	[dreg:$0x3] =	wrdreg s24  }
0xb0: {  	[dreg:$0x4] =	wrdreg $0x9  }
0xb1: {  	_ =	task.clear_ibuf [dreg:s7], $0x5FFFF;
	_ =	strace $0x90000046  }
0xb2: {  	s29 =	simm.s32 $0x9;
	_ =	strace $0x80000048  }
0xb3: {  	_ =	swait.ge [sflag:s29], $0x1  }
0xb4: {  	[sflag:s29] =	ssyncadd.s32 $0xFFFFFFFF  }
0xb5: {  	_ =	strace $0x90000048  }
0xb6: {  	_ =	sfence  }
0xb7: {  	s30 =	sld [smem:$0x0];
	_ =	sdelay $0x2  }
0xb8: {  	s31 =	sshll.u32 s1, $0xD;
	s1 =	sshrl.u32 s1, $0x2  }
0xb9: {  	s3 =	sand.u32 $0x4000, s31;
	s1 =	sadd.s32 s1, s30  }
0xba: {  	s0 =	sor.u32 s3, s0;
	s1 =	sshll.u32 s1, $0x11  }
0xbb: {  	s0 =	sor.u32 s1, s0  }
0xbc: {  	s0 =	sadd.s32 $0x8F2B, s0  }
0xbd: {  	[sflag:s0] =	ssyncadd.remote.s32 $0x1  }
0xbe: {  	_ =	sfence.sel $0xFFFF  }
0xbf: {  	[dreg:$0x0] =	wrdreg $0xFFFFFFFF;
	(pc) =	sbr.abs _section_cstart, $3  }
0xc0: {  	[dreg:$0x1] =	wrdreg $0xFFFFFFFF  }
0xc1: {  	_ =	task.clear_ibuf [dreg:s7], $0x2FFFF;
	_ =	strace $0x9FFFFFFF  }
0xc2: {  	(tm) =	ssettm $0x7FFFFFFF  }
0xc3: {  	_ =	shalt  }
tec
execute0_lowered:
.L_overlay_start_1:
0x0: {  	(tag) =	ssettag $0x1  }
0x1: {  	s1 =	stileid.u32  }
0x2: {  	p0 =	sgt.u32 s1, $0x3  }
.Ltmp0:
0x3: {  	_ = 	snop;
	(pc) =	sbr.rel @p0 .LBB2_4-.Ltmp0, $4  }
0x4: {  	s3 =	rddreg [dreg:$0x0]  }
0x5: {  	s5 =	rddreg [dreg:$0x1];
	s2 =	simm.s32 $0x0  }
0x6: {  	[smem:$0x7FF] =	sst s2  }
0x7: {  	s0 =	rddreg [dreg:$0x2];
	_ =	strace $0x80000047  }
0x8: {  	s4 =	srdreg.scid  }
0x9: {  	s6 =	sand.u32 $0x1, s4  }
0xa: {  	s31 =	sshll.u32 s1, $0x5;
	s7 =	sshll.u32 s6, $0x4  }
0xb: {  	s7 =	sor.u32 s7, s31  }
0xc: {  	s4 =	sadd.s32 s3, s7;
	s3 =	simm.s32 $0x1  }
0xd: {  	v0 =	vimm.s32 $0xFEDCBA98;
	[tilespmem:s2], [sflag:$0x1] =	stream.linear.gather [hbm4b:s4+s2], $0x80, $0x38;
	[tilespmem:$0x180] =	vst v63  }
0xe: {  	v1 =	vimm.s32 $0x76543210;
	v0 =	vunpack.c.l.s4.s8 v0;
	_ =	swait.ge [sflag:s3], $0x80  }
0xf: {  	v2 =	vimm.s32 $0x3210FEDC;
	v3 =	vimm.s32 $0xBA987654;
	v1 =	vunpack.c.l.s4.s8 v1;
	[sflag:s3] =	ssyncset.done $0x0  }
0x10: {  	v2 =	vunpack.c.l.s4.s8 v2;
	v3 =	vunpack.c.l.s4.s8 v3;
	v0 =	vunpack.c.0.s8.s32 v0;
	[sflag:s3] =	ssyncadd.s32 $0xFFFFFF80  }
0x11: {  	v1 =	vunpack.c.0.s8.s32 v1;
	v5 =	vld [tilespmem:$0x0]  }
0x12: {  	v2 =	vunpack.c.0.s8.s32 v2;
	v3 =	vunpack.c.0.s8.s32 v3;
	v0 =	vand.u32 $0xF, v0  }
0x13: {  	v0 =	vcombine.low v0, v1;
	v1 =	vimm.s32 $0x10FEDCBA  }
0x14: {  	v2 =	vcombine.low v3, v2;
	v3 =	vunpack.c.l.s4.s8 v1;
	v1 =	vimm.s32 $0x98765432  }
0x15: {  	v4 =	vunpack.c.l.s4.s8 v1  }
0x16: {  	v1 =	vand.u32 $0xF, v2;
	v2 =	vunpack.c.0.s8.s32 v3;
	v3 =	vperm.xlane v5, v0  }
0x17: {  	v6 =	vimm.s32 $0xFEDCBA9;
	v7 =	vimm.s32 $0x87654321;
	v4 =	vunpack.c.0.s8.s32 v4  }
0x18: {  	v6 =	vunpack.c.l.s4.s8 v6;
	v7 =	vunpack.c.l.s4.s8 v7;
	v3 =	vmax.f32 v5, v3  }
0x19: {  	v2 =	vcombine.low v4, v2;
	v4 =	vperm.xlane v3, v1  }
0x1a: {  	v6 =	vunpack.c.0.s8.s32 v6;
	v7 =	vunpack.c.0.s8.s32 v7  }
0x1b: {  	v2 =	vand.u32 $0xF, v2;
	v4 =	vmax.f32 v3, v4  }
0x1c: {  	v3 =	vcombine.low v7, v6;
	v6 =	vperm.xlane v4, v2;
	_ =	sdelay $0x1  }
0x1d: {  	v3 =	vand.u32 $0xF, v3;
	v4 =	vmax.f32 v4, v6  }
0x1e: {  	v6 =	vperm.xlane v4, v3;
	_ =	sdelay $0x1  }
0x1f: {  	v6 =	vmax.f32 v4, v6  }
0x20: {  	v4 =	vsub.f32 v5, v6;
	_ =	sdelay $0x1  }
0x21: {  	v4 =	vmul.f32 $1.442695020e+00, v4;
	_ =	sdelay $0x1  }
0x22: {  	(erf) = vpow2.f32 v4;
	_ =	sdelay $0x8  }
0x23: {  	v4 =	vpop (erf)  }
0x24: {  	v7 =	vperm.xlane v4, v0;
	_ =	sdelay $0x1  }
0x25: {  	v4 =	vadd.f32 v4, v7;
	_ =	sdelay $0x1  }
0x26: {  	v7 =	vperm.xlane v4, v1;
	_ =	sdelay $0x1  }
0x27: {  	vm0 =	veq.f32 v5, v6;
	v7 =	vadd.f32 v4, v7;
	v4 =	vlaneseq.u32  }
0x28: {  	v5 =	vnsel vm0, $0x10, v4  }
0x29: {  	v6 =	vperm.xlane v7, v2;
	v8 =	vperm.xlane v5, v0;
	_ =	sdelay $0x1  }
0x2a: {  	v6 =	vadd.f32 v7, v6;
	vm0 =	vlt.s32 v5, v8  }
0x2b: {  	v5 =	vsel vm0, v5, v8  }
0x2c: {  	v7 =	vperm.xlane v6, v3;
	v8 =	vperm.xlane v5, v1;
	_ =	sdelay $0x1  }
0x2d: {  	v6 =	vadd.f32 v6, v7;
	vm0 =	vlt.s32 v5, v8  }
0x2e: {  	v5 =	vsel vm0, v5, v8  }
0x2f: {  	(erf) = vrcp.f32 v6;
	v6 =	vperm.xlane v5, v2;
	_ =	sdelay $0x1  }
0x30: {  	vm0 =	vlt.s32 v5, v6  }
0x31: {  	v5 =	vsel vm0, v5, v6  }
0x32: {  	v6 =	vperm.xlane v5, v3;
	_ =	sdelay $0x1  }
0x33: {  	vm0 =	vlt.s32 v5, v6  }
0x34: {  	v5 =	vsel vm0, v5, v6  }
0x35: {  	s8 =	ssub.s32 $0x2, s6  }
0x36: {  	s9 =	sshrl.u32 s8, $0x1  }
0x37: {  	s7 =	sadd.s32 s7, s5;
	s8 =	ssub.s32 s8, s9;
	[tilespmem:$0x80] =	vst v5;
	v5 =	vpop (erf)  }
0x38: {  	s6 =	simm.s32 $0x80;
	s5 =	sadd.s32 $0x1E00, s7;
	s9 =	smax.u32 s8, $0x1;
	[tilespmem:$0x100] =	vst v5  }
0x39: {  	[hbm4b:s5+s2] =	stream.linear.scatter [tilespmem:s6], [sflag:$0x1], $0x80, $0x38;
	[tilespmem:$0x180] =	vst v63  }
0x3a: {  	p0 =	sne.s32 s9, $0x1;
	_ =	swait.ge [sflag:s3], $0x80  }
.Ltmp1:
0x3b: {  	[sflag:s3] =	ssyncset.done $0x0;
	(pc) =	sbr.rel @!p0 .LBB2_3-.Ltmp1, $4  }
0x3c: {  	s7 =	sadd.s32 $0x2000, s7;
	s8 =	simm.s32 $0x100;
	[sflag:s3] =	ssyncadd.s32 $0xFFFFFF80  }
0x3d: {  	[hbm4b:s7+s2] =	stream.linear.scatter [tilespmem:s8], [sflag:$0x1], $0x80, $0x38;
	[tilespmem:$0x180] =	vst v63  }
0x3e: {  	_ =	swait.ge [sflag:s3], $0x80  }
0x3f: {  	s9 =	sadd.s32 $0xFFFFFFFF, s9;
	[sflag:s3] =	ssyncset.done $0x0  }
.LBB2_2:
0x40: {  	p0 =	sne.s32 s9, $0x1;
	s9 =	sadd.s32 $0xFFFFFFFF, s9;
	[sflag:s3] =	ssyncadd.s32 $0xFFFFFF80  }
0x41: {  	[tilespmem:s2], [sflag:$0x1] =	stream.linear.gather [hbm4b:s4+s2], $0x80, $0x38;
	[tilespmem:$0x180] =	vst v63  }
0x42: {  	_ =	swait.ge [sflag:s3], $0x80  }
0x43: {  	[sflag:s3] =	ssyncset.done $0x0  }
0x44: {  	[sflag:s3] =	ssyncadd.s32 $0xFFFFFF80  }
0x45: {  	v5 =	vld [tilespmem:$0x0];
	_ =	sdelay $0x4  }
0x46: {  	v6 =	vperm.xlane v5, v0;
	_ =	sdelay $0x1  }
0x47: {  	v6 =	vmax.f32 v5, v6  }
0x48: {  	v7 =	vperm.xlane v6, v1;
	_ =	sdelay $0x1  }
0x49: {  	v6 =	vmax.f32 v6, v7  }
0x4a: {  	v7 =	vperm.xlane v6, v2;
	_ =	sdelay $0x1  }
0x4b: {  	v6 =	vmax.f32 v6, v7  }
0x4c: {  	v7 =	vperm.xlane v6, v3;
	_ =	sdelay $0x1  }
0x4d: {  	v6 =	vmax.f32 v6, v7  }
0x4e: {  	v7 =	vsub.f32 v5, v6;
	vm0 =	veq.f32 v5, v6  }
0x4f: {  	v5 =	vnsel vm0, $0x10, v4  }
0x50: {  	v6 =	vmul.f32 $1.442695020e+00, v7;
	v7 =	vperm.xlane v5, v0;
	_ =	sdelay $0x1  }
0x51: {  	vm0 =	vlt.s32 v5, v7;
	(erf) = vpow2.f32 v6  }
0x52: {  	v5 =	vsel vm0, v5, v7  }
0x53: {  	v6 =	vperm.xlane v5, v1;
	_ =	sdelay $0x1  }
0x54: {  	vm0 =	vlt.s32 v5, v6  }
0x55: {  	v5 =	vsel vm0, v5, v6  }
0x56: {  	v7 =	vperm.xlane v5, v2;
	_ =	sdelay $0x1  }
0x57: {  	vm0 =	vlt.s32 v5, v7  }
0x58: {  	v5 =	vsel vm0, v5, v7;
	v6 =	vpop (erf)  }
0x59: {  	v7 =	vperm.xlane v6, v0;
	v8 =	vperm.xlane v5, v3;
	_ =	sdelay $0x1  }
0x5a: {  	v6 =	vadd.f32 v6, v7;
	vm0 =	vlt.s32 v5, v8  }
0x5b: {  	v5 =	vsel vm0, v5, v8  }
0x5c: {  	v7 =	vperm.xlane v6, v1;
	[tilespmem:$0x80] =	vst v5;
	_ =	sdelay $0x1  }
0x5d: {  	v5 =	vadd.f32 v6, v7;
	_ =	sdelay $0x1  }
0x5e: {  	v6 =	vperm.xlane v5, v2;
	_ =	sdelay $0x1  }
0x5f: {  	v5 =	vadd.f32 v5, v6;
	_ =	sdelay $0x1  }
0x60: {  	v6 =	vperm.xlane v5, v3;
	_ =	sdelay $0x1  }
0x61: {  	v5 =	vadd.f32 v5, v6;
	_ =	sdelay $0x1  }
0x62: {  	(erf) = vrcp.f32 v5;
	_ =	sdelay $0x8  }
0x63: {  	v5 =	vpop (erf)  }
0x64: {  	[tilespmem:$0x100] =	vst v5  }
0x65: {  	[hbm4b:s5+s2] =	stream.linear.scatter [tilespmem:s6], [sflag:$0x1], $0x80, $0x38;
	[tilespmem:$0x180] =	vst v63  }
0x66: {  	_ =	swait.ge [sflag:s3], $0x80  }
.Ltmp2:
0x67: {  	[sflag:s3] =	ssyncset.done $0x0;
	(pc) =	sbr.rel @p0 .LBB2_2-.Ltmp2, $4  }
0x68: {  	[sflag:s3] =	ssyncadd.s32 $0xFFFFFF80  }
0x69: {  	[hbm4b:s7+s2] =	stream.linear.scatter [tilespmem:s8], [sflag:$0x1], $0x80, $0x38;
	[tilespmem:$0x180] =	vst v63  }
0x6a: {  	_ =	swait.ge [sflag:s3], $0x80  }
0x6b: {  	[sflag:s3] =	ssyncset.done $0x0  }
.LBB2_3:
0x6c: {  	[sflag:s3] =	ssyncadd.s32 $0xFFFFFF80  }
.LBB2_4:
0x6d: {  	_ =	sfence.sel $0x180000  }
0x6e: {  	[bflag:$0x0] =	sbarrier.arrive $0xFFFF  }
0x6f: {  	p0 =	sne.s32 s1, $0x0;
	_ =	strace $0x90000047  }
0x70: {  	s0 =	sadd.s32 @!p0 $0x100000, s0;
	[bflag:$0x2] =	sbarrier.arrive $0xFFFF  }
0x71: {  	[sflag:s0] =	ssyncadd.tile.s32 @!p0 $0x1;
	_ =	shalt  }
.Lfunc_end2:
_tile_overlayer_lowered:
.L_overlay_start_2:
0x72: {  	(tag) =	ssettag $0x2  }
0x73: {  	s0 =	rddreg [dreg:$0x0];
	s2 =	stileid.u32  }
0x74: {  	s1 =	rddreg [dreg:$0x1];
	p0 =	sne.s32 s2, $0x0  }
0x75: {  	s3 =	rddreg [dreg:$0x2];
	[bflag:$0x3] =	sbarrier.arrive $0xFFFF;
	s2 =	simm.s32 @!p0 $0x1C01  }
0x76: {  	[timem:s3], [sflag:s2] =	dma.local @!p0 [hbm:s0], s1  }
0x77: {  	s0 =	simm.s32 @!p0 $0x1  }
0x78: {  	_ =	swait.ge @!p0 [sflag:s0], s1  }
0x79: {  	s1 =	ssub.s32 @!p0 $0x0, s1;
	[sflag:s0] =	ssyncset.done @!p0 $0x0  }
0x7a: {  	[sflag:s0] =	ssyncadd.s32 @!p0 s1  }
0x7b: {  	[bflag:$0x3] =	sbarrier.arrive $0xFFFF  }
0x7c: {  	_ =	shalt  }

</sc_bundles>
